<compile_context>
chip_gen: v7x
topology: tpu7x:2x2x1
jax: 0.10.2.dev20260603
libtpu: 0.0.44.dev20260713+nightly
codegen_flags: <defaults>
</compile_context>

<pallas_src>
import jax
import jax.numpy as jnp
from jax import lax
from jax.experimental import pallas as pl
from jax.experimental.pallas import tpu as pltpu
from jax.experimental.pallas import tpu_sc as plsc
from jax._src.pallas import mpmd


def _make_copy_kernel(rows: int, cols: int):
    n_cores = 2
    half = rows // 2

    scalar_mesh = plsc.ScalarSubcoreMesh(axis_name="c", num_cores=n_cores)
    vector_mesh = plsc.VectorSubcoreMesh(core_axis_name="c", subcore_axis_name="s")

    s_nbuf = 16
    s_rows_per_c = half // n_cores
    s_chunk = s_rows_per_c // s_nbuf

    n_workers = 32
    v_rows_per_w = half // n_workers
    v_nbuf = 2
    v_chunk = v_rows_per_w // v_nbuf

    dma = pltpu.SemaphoreType.DMA.dtype

    scratch_types = [
        pltpu.VMEM_SHARED((s_nbuf, s_chunk, cols), jnp.float32),
        (pltpu.MemorySpace.SEMAPHORE @ scalar_mesh)((s_nbuf,), dma),
        (pltpu.MemorySpace.SEMAPHORE @ scalar_mesh)((), dma),
        (pltpu.MemorySpace.VMEM @ vector_mesh)((v_nbuf, v_chunk, cols), jnp.float32),
        (pltpu.MemorySpace.SEMAPHORE @ vector_mesh)((v_nbuf,), dma),
        (pltpu.MemorySpace.SEMAPHORE @ vector_mesh)((), dma),
    ]

    def scs_fn(table_hbm, out_hbm, sbuf, s_in_sems, s_out_sem, vbuf, v_in_sems, v_out_sem):
        del vbuf, v_in_sems, v_out_sem
        cid = lax.axis_index("c")
        base = cid * s_rows_per_c
        copies_in = []
        copies_out = []
        for b in range(s_nbuf):
            copies_in.append(
                pltpu.async_copy(
                    table_hbm.at[pl.ds(base + b * s_chunk, s_chunk)],
                    sbuf.at[b],
                    s_in_sems.at[b],
                )
            )
        for b in range(s_nbuf):
            copies_in[b].wait()
            copies_out.append(
                pltpu.async_copy(
                    sbuf.at[b],
                    out_hbm.at[pl.ds(base + b * s_chunk, s_chunk)],
                    s_out_sem,
                )
            )
        for b in range(s_nbuf):
            copies_out[b].wait()

    def tec_fn(table_hbm, out_hbm, sbuf, s_in_sems, s_out_sem, vbuf, v_in_sems, v_out_sem):
        del sbuf, s_in_sems, s_out_sem
        nc = lax.axis_size("c")
        wid = lax.axis_index("s") * nc + lax.axis_index("c")
        base = half + wid * v_rows_per_w
        copies_in = []
        copies_out = []
        for b in range(v_nbuf):
            copies_in.append(
                pltpu.async_copy(
                    table_hbm.at[pl.ds(base + b * v_chunk, v_chunk)],
                    vbuf.at[b],
                    v_in_sems.at[b],
                )
            )
        for b in range(v_nbuf):
            copies_in[b].wait()
            copies_out.append(
                pltpu.async_copy(
                    vbuf.at[b],
                    out_hbm.at[pl.ds(base + b * v_chunk, v_chunk)],
                    v_out_sem,
                )
            )
        for b in range(v_nbuf):
            copies_out[b].wait()

    return mpmd.mpmd_map(
        [(scalar_mesh, scs_fn), (vector_mesh, tec_fn)],
        out_types=jax.ShapeDtypeStruct((rows, cols), jnp.float32),
        scratch_types=scratch_types,
    )


def kernel(x, pos_table):
    seq_len = x.shape[-1]
    rows, cols = pos_table.shape
    assert seq_len == rows, "positions cover exactly the whole table"
    return _make_copy_kernel(rows, cols)(pos_table)

# --- scband reference (transcript-rebuilt; emitter-appended) ---
"""Pipeline reference for scband-position-embedding-16355235463641 (READ-ONLY COPY).

The authoritative reference and input builder live on the scoring server;
editing this copy changes nothing except your own understanding.
"""

import jax, jax.numpy as jnp
import numpy as np

INPUT_DIM = 8192
OUTPUT_DIM = 128

def setup_inputs(seed: int = 0) -> dict:
    key = jax.random.key(seed)
    k1, k2 = jax.random.split(key)
    x = jax.random.randint(k1, (4, 8192), 0, 100000, dtype=jnp.int64)
    pos_table = jax.random.normal(k2, (INPUT_DIM, OUTPUT_DIM), dtype=jnp.float32) * 0.05
    return {"x": x, "pos_table": pos_table}

def reference(x, pos_table):
    # Faithful translation of PositionEmbedding.call:
    # seq_len = tf.shape(x)[-1]; positions = tf.range(seq_len); return Embedding(positions)
    seq_len = x.shape[-1]
    positions = jnp.arange(0, seq_len, dtype=jnp.int32)
    return jnp.take(pos_table, positions, axis=0)

if __name__ == "__main__":
    import jax
    _d = setup_inputs()
    print(jax.jit(kernel)(*tuple(_d.values())))

</pallas_src>

<mosaic_0001>
#map = affine_map<(d0) -> (0, 0)>
#map1 = affine_map<(d0, d1) -> (0, 0)>
module attributes {stable_mosaic.version = 14 : i64} {
  func.func @scs_fn(%arg0: i32, %arg1: memref<8192x128xf32, #tpu.memory_space<hbm>>, %arg2: memref<8192x128xf32, #tpu.memory_space<hbm>>, %arg3: memref<16x128x128xf32, #tpu.memory_space<vmem_shared>>, %arg4: memref<16x!tpu.dma_semaphore, #tpu.memory_space<semaphore_mem>>, %arg5: memref<!tpu.dma_semaphore, #tpu.memory_space<semaphore_mem>>, %arg6: memref<2x64x128xf32, #tpu.memory_space<vmem, sc_vector_subcore>>, %arg7: memref<2x!tpu.dma_semaphore, #tpu.memory_space<semaphore_mem, sc_vector_subcore>>, %arg8: memref<!tpu.dma_semaphore, #tpu.memory_space<semaphore_mem, sc_vector_subcore>>) attributes {dimension_semantics = [#tpu.dimension_semantics<core_parallel>], iteration_bounds = array<i64: 2>, scalar_prefetch = 0 : i64, scratch_operands = 6 : i64, tpu.core_type = #tpu.core_type<sc_scalar_subcore>, window_params = [{transform_indices = #map}, {transform_indices = #map}]} {
    %mul3A = arith.constant 2048 : i32
    %mul3A_0 = arith.muli %arg0, %mul3A : i32
    %add3A = arith.constant 0 : i32
    %add3A_1 = arith.addi %mul3A_0, %add3A : i32
    %dma_start3A = arith.constant 0 : i32
    %dma_start3A_2 = arith.constant 0 : i32
    %dma_start3A_3 = tpu.memref_slice %arg4[%dma_start3A_2] : memref<16x!tpu.dma_semaphore, #tpu.memory_space<semaphore_mem>> -> memref<1x!tpu.dma_semaphore, #tpu.memory_space<semaphore_mem>>
    %dma_start3A_4 = tpu.memref_squeeze %dma_start3A_3 : memref<1x!tpu.dma_semaphore, #tpu.memory_space<semaphore_mem>> -> memref<!tpu.dma_semaphore, #tpu.memory_space<semaphore_mem>>
    %dma_start3A_5 = arith.constant 0 : i32
    %dma_start3A_6 = arith.constant 0 : i32
    %dma_start3A_7 = tpu.memref_slice %arg3[%dma_start3A, %dma_start3A_5, %dma_start3A_6] : memref<16x128x128xf32, #tpu.memory_space<vmem_shared>> -> memref<1x128x128xf32, #tpu.memory_space<vmem_shared>>
    %dma_start3A_8 = tpu.memref_squeeze %dma_start3A_7 : memref<1x128x128xf32, #tpu.memory_space<vmem_shared>> -> memref<128x128xf32, #tpu.memory_space<vmem_shared>>
    %dma_start3A_9 = arith.constant 0 : i32
    %dma_start3A_10 = tpu.memref_slice %arg1[%add3A_1, %dma_start3A_9] : memref<8192x128xf32, #tpu.memory_space<hbm>> -> memref<128x128xf32, #tpu.memory_space<hbm>>
    tpu.enqueue_dma source(%dma_start3A_10 : memref<128x128xf32, #tpu.memory_space<hbm>>) target(%dma_start3A_8 : memref<128x128xf32, #tpu.memory_space<vmem_shared>>) target_semaphore(%dma_start3A_4 : memref<!tpu.dma_semaphore, #tpu.memory_space<semaphore_mem>>)
    %add3A_11 = arith.constant 128 : i32
    %add3A_12 = arith.addi %mul3A_0, %add3A_11 : i32
    %dma_start3A_13 = arith.constant 1 : i32
    %dma_start3A_14 = arith.constant 1 : i32
    %dma_start3A_15 = tpu.memref_slice %arg4[%dma_start3A_14] : memref<16x!tpu.dma_semaphore, #tpu.memory_space<semaphore_mem>> -> memref<1x!tpu.dma_semaphore, #tpu.memory_space<semaphore_mem>>
    %dma_start3A_16 = tpu.memref_squeeze %dma_start3A_15 : memref<1x!tpu.dma_semaphore, #tpu.memory_space<semaphore_mem>> -> memref<!tpu.dma_semaphore, #tpu.memory_space<semaphore_mem>>
    %dma_start3A_17 = arith.constant 0 : i32
    %dma_start3A_18 = arith.constant 0 : i32
    %dma_start3A_19 = tpu.memref_slice %arg3[%dma_start3A_13, %dma_start3A_17, %dma_start3A_18] : memref<16x128x128xf32, #tpu.memory_space<vmem_shared>> -> memref<1x128x128xf32, #tpu.memory_space<vmem_shared>>
    %dma_start3A_20 = tpu.memref_squeeze %dma_start3A_19 : memref<1x128x128xf32, #tpu.memory_space<vmem_shared>> -> memref<128x128xf32, #tpu.memory_space<vmem_shared>>
    %dma_start3A_21 = arith.constant 0 : i32
    %dma_start3A_22 = tpu.memref_slice %arg1[%add3A_12, %dma_start3A_21] : memref<8192x128xf32, #tpu.memory_space<hbm>> -> memref<128x128xf32, #tpu.memory_space<hbm>>
    tpu.enqueue_dma source(%dma_start3A_22 : memref<128x128xf32, #tpu.memory_space<hbm>>) target(%dma_start3A_20 : memref<128x128xf32, #tpu.memory_space<vmem_shared>>) target_semaphore(%dma_start3A_16 : memref<!tpu.dma_semaphore, #tpu.memory_space<semaphore_mem>>)
    %add3A_23 = arith.constant 256 : i32
    %add3A_24 = arith.addi %mul3A_0, %add3A_23 : i32
    %dma_start3A_25 = arith.constant 2 : i32
    %dma_start3A_26 = arith.constant 2 : i32
    %dma_start3A_27 = tpu.memref_slice %arg4[%dma_start3A_26] : memref<16x!tpu.dma_semaphore, #tpu.memory_space<semaphore_mem>> -> memref<1x!tpu.dma_semaphore, #tpu.memory_space<semaphore_mem>>
    %dma_start3A_28 = tpu.memref_squeeze %dma_start3A_27 : memref<1x!tpu.dma_semaphore, #tpu.memory_space<semaphore_mem>> -> memref<!tpu.dma_semaphore, #tpu.memory_space<semaphore_mem>>
    %dma_start3A_29 = arith.constant 0 : i32
    %dma_start3A_30 = arith.constant 0 : i32
    %dma_start3A_31 = tpu.memref_slice %arg3[%dma_start3A_25, %dma_start3A_29, %dma_start3A_30] : memref<16x128x128xf32, #tpu.memory_space<vmem_shared>> -> memref<1x128x128xf32, #tpu.memory_space<vmem_shared>>
    %dma_start3A_32 = tpu.memref_squeeze %dma_start3A_31 : memref<1x128x128xf32, #tpu.memory_space<vmem_shared>> -> memref<128x128xf32, #tpu.memory_space<vmem_shared>>
    %dma_start3A_33 = arith.constant 0 : i32
    %dma_start3A_34 = tpu.memref_slice %arg1[%add3A_24, %dma_start3A_33] : memref<8192x128xf32, #tpu.memory_space<hbm>> -> memref<128x128xf32, #tpu.memory_space<hbm>>
    tpu.enqueue_dma source(%dma_start3A_34 : memref<128x128xf32, #tpu.memory_space<hbm>>) target(%dma_start3A_32 : memref<128x128xf32, #tpu.memory_space<vmem_shared>>) target_semaphore(%dma_start3A_28 : memref<!tpu.dma_semaphore, #tpu.memory_space<semaphore_mem>>)
    %add3A_35 = arith.constant 384 : i32
    %add3A_36 = arith.addi %mul3A_0, %add3A_35 : i32
    %dma_start3A_37 = arith.constant 3 : i32
    %dma_start3A_38 = arith.constant 3 : i32
    %dma_start3A_39 = tpu.memref_slice %arg4[%dma_start3A_38] : memref<16x!tpu.dma_semaphore, #tpu.memory_space<semaphore_mem>> -> memref<1x!tpu.dma_semaphore, #tpu.memory_space<semaphore_mem>>
    %dma_start3A_40 = tpu.memref_squeeze %dma_start3A_39 : memref<1x!tpu.dma_semaphore, #tpu.memory_space<semaphore_mem>> -> memref<!tpu.dma_semaphore, #tpu.memory_space<semaphore_mem>>
    %dma_start3A_41 = arith.constant 0 : i32
    %dma_start3A_42 = arith.constant 0 : i32
    %dma_start3A_43 = tpu.memref_slice %arg3[%dma_start3A_37, %dma_start3A_41, %dma_start3A_42] : memref<16x128x128xf32, #tpu.memory_space<vmem_shared>> -> memref<1x128x128xf32, #tpu.memory_space<vmem_shared>>
    %dma_start3A_44 = tpu.memref_squeeze %dma_start3A_43 : memref<1x128x128xf32, #tpu.memory_space<vmem_shared>> -> memref<128x128xf32, #tpu.memory_space<vmem_shared>>
    %dma_start3A_45 = arith.constant 0 : i32
    %dma_start3A_46 = tpu.memref_slice %arg1[%add3A_36, %dma_start3A_45] : memref<8192x128xf32, #tpu.memory_space<hbm>> -> memref<128x128xf32, #tpu.memory_space<hbm>>
    tpu.enqueue_dma source(%dma_start3A_46 : memref<128x128xf32, #tpu.memory_space<hbm>>) target(%dma_start3A_44 : memref<128x128xf32, #tpu.memory_space<vmem_shared>>) target_semaphore(%dma_start3A_40 : memref<!tpu.dma_semaphore, #tpu.memory_space<semaphore_mem>>)
    %add3A_47 = arith.constant 512 : i32
    %add3A_48 = arith.addi %mul3A_0, %add3A_47 : i32
    %dma_start3A_49 = arith.constant 4 : i32
    %dma_start3A_50 = arith.constant 4 : i32
    %dma_start3A_51 = tpu.memref_slice %arg4[%dma_start3A_50] : memref<16x!tpu.dma_semaphore, #tpu.memory_space<semaphore_mem>> -> memref<1x!tpu.dma_semaphore, #tpu.memory_space<semaphore_mem>>
    %dma_start3A_52 = tpu.memref_squeeze %dma_start3A_51 : memref<1x!tpu.dma_semaphore, #tpu.memory_space<semaphore_mem>> -> memref<!tpu.dma_semaphore, #tpu.memory_space<semaphore_mem>>
    %dma_start3A_53 = arith.constant 0 : i32
    %dma_start3A_54 = arith.constant 0 : i32
    %dma_start3A_55 = tpu.memref_slice %arg3[%dma_start3A_49, %dma_start3A_53, %dma_start3A_54] : memref<16x128x128xf32, #tpu.memory_space<vmem_shared>> -> memref<1x128x128xf32, #tpu.memory_space<vmem_shared>>
    %dma_start3A_56 = tpu.memref_squeeze %dma_start3A_55 : memref<1x128x128xf32, #tpu.memory_space<vmem_shared>> -> memref<128x128xf32, #tpu.memory_space<vmem_shared>>
    %dma_start3A_57 = arith.constant 0 : i32
    %dma_start3A_58 = tpu.memref_slice %arg1[%add3A_48, %dma_start3A_57] : memref<8192x128xf32, #tpu.memory_space<hbm>> -> memref<128x128xf32, #tpu.memory_space<hbm>>
    tpu.enqueue_dma source(%dma_start3A_58 : memref<128x128xf32, #tpu.memory_space<hbm>>) target(%dma_start3A_56 : memref<128x128xf32, #tpu.memory_space<vmem_shared>>) target_semaphore(%dma_start3A_52 : memref<!tpu.dma_semaphore, #tpu.memory_space<semaphore_mem>>)
    %add3A_59 = arith.constant 640 : i32
    %add3A_60 = arith.addi %mul3A_0, %add3A_59 : i32
    %dma_start3A_61 = arith.constant 5 : i32
    %dma_start3A_62 = arith.constant 5 : i32
    %dma_start3A_63 = tpu.memref_slice %arg4[%dma_start3A_62] : memref<16x!tpu.dma_semaphore, #tpu.memory_space<semaphore_mem>> -> memref<1x!tpu.dma_semaphore, #tpu.memory_space<semaphore_mem>>
    %dma_start3A_64 = tpu.memref_squeeze %dma_start3A_63 : memref<1x!tpu.dma_semaphore, #tpu.memory_space<semaphore_mem>> -> memref<!tpu.dma_semaphore, #tpu.memory_space<semaphore_mem>>
    %dma_start3A_65 = arith.constant 0 : i32
    %dma_start3A_66 = arith.constant 0 : i32
    %dma_start3A_67 = tpu.memref_slice %arg3[%dma_start3A_61, %dma_start3A_65, %dma_start3A_66] : memref<16x128x128xf32, #tpu.memory_space<vmem_shared>> -> memref<1x128x128xf32, #tpu.memory_space<vmem_shared>>
    %dma_start3A_68 = tpu.memref_squeeze %dma_start3A_67 : memref<1x128x128xf32, #tpu.memory_space<vmem_shared>> -> memref<128x128xf32, #tpu.memory_space<vmem_shared>>
    %dma_start3A_69 = arith.constant 0 : i32
    %dma_start3A_70 = tpu.memref_slice %arg1[%add3A_60, %dma_start3A_69] : memref<8192x128xf32, #tpu.memory_space<hbm>> -> memref<128x128xf32, #tpu.memory_space<hbm>>
    tpu.enqueue_dma source(%dma_start3A_70 : memref<128x128xf32, #tpu.memory_space<hbm>>) target(%dma_start3A_68 : memref<128x128xf32, #tpu.memory_space<vmem_shared>>) target_semaphore(%dma_start3A_64 : memref<!tpu.dma_semaphore, #tpu.memory_space<semaphore_mem>>)
    %add3A_71 = arith.constant 768 : i32
    %add3A_72 = arith.addi %mul3A_0, %add3A_71 : i32
    %dma_start3A_73 = arith.constant 6 : i32
    %dma_start3A_74 = arith.constant 6 : i32
    %dma_start3A_75 = tpu.memref_slice %arg4[%dma_start3A_74] : memref<16x!tpu.dma_semaphore, #tpu.memory_space<semaphore_mem>> -> memref<1x!tpu.dma_semaphore, #tpu.memory_space<semaphore_mem>>
    %dma_start3A_76 = tpu.memref_squeeze %dma_start3A_75 : memref<1x!tpu.dma_semaphore, #tpu.memory_space<semaphore_mem>> -> memref<!tpu.dma_semaphore, #tpu.memory_space<semaphore_mem>>
    %dma_start3A_77 = arith.constant 0 : i32
    %dma_start3A_78 = arith.constant 0 : i32
    %dma_start3A_79 = tpu.memref_slice %arg3[%dma_start3A_73, %dma_start3A_77, %dma_start3A_78] : memref<16x128x128xf32, #tpu.memory_space<vmem_shared>> -> memref<1x128x128xf32, #tpu.memory_space<vmem_shared>>
    %dma_start3A_80 = tpu.memref_squeeze %dma_start3A_79 : memref<1x128x128xf32, #tpu.memory_space<vmem_shared>> -> memref<128x128xf32, #tpu.memory_space<vmem_shared>>
    %dma_start3A_81 = arith.constant 0 : i32
    %dma_start3A_82 = tpu.memref_slice %arg1[%add3A_72, %dma_start3A_81] : memref<8192x128xf32, #tpu.memory_space<hbm>> -> memref<128x128xf32, #tpu.memory_space<hbm>>
    tpu.enqueue_dma source(%dma_start3A_82 : memref<128x128xf32, #tpu.memory_space<hbm>>) target(%dma_start3A_80 : memref<128x128xf32, #tpu.memory_space<vmem_shared>>) target_semaphore(%dma_start3A_76 : memref<!tpu.dma_semaphore, #tpu.memory_space<semaphore_mem>>)
    %add3A_83 = arith.constant 896 : i32
    %add3A_84 = arith.addi %mul3A_0, %add3A_83 : i32
    %dma_start3A_85 = arith.constant 7 : i32
    %dma_start3A_86 = arith.constant 7 : i32
    %dma_start3A_87 = tpu.memref_slice %arg4[%dma_start3A_86] : memref<16x!tpu.dma_semaphore, #tpu.memory_space<semaphore_mem>> -> memref<1x!tpu.dma_semaphore, #tpu.memory_space<semaphore_mem>>
    %dma_start3A_88 = tpu.memref_squeeze %dma_start3A_87 : memref<1x!tpu.dma_semaphore, #tpu.memory_space<semaphore_mem>> -> memref<!tpu.dma_semaphore, #tpu.memory_space<semaphore_mem>>
    %dma_start3A_89 = arith.constant 0 : i32
    %dma_start3A_90 = arith.constant 0 : i32
    %dma_start3A_91 = tpu.memref_slice %arg3[%dma_start3A_85, %dma_start3A_89, %dma_start3A_90] : memref<16x128x128xf32, #tpu.memory_space<vmem_shared>> -> memref<1x128x128xf32, #tpu.memory_space<vmem_shared>>
    %dma_start3A_92 = tpu.memref_squeeze %dma_start3A_91 : memref<1x128x128xf32, #tpu.memory_space<vmem_shared>> -> memref<128x128xf32, #tpu.memory_space<vmem_shared>>
    %dma_start3A_93 = arith.constant 0 : i32
    %dma_start3A_94 = tpu.memref_slice %arg1[%add3A_84, %dma_start3A_93] : memref<8192x128xf32, #tpu.memory_space<hbm>> -> memref<128x128xf32, #tpu.memory_space<hbm>>
    tpu.enqueue_dma source(%dma_start3A_94 : memref<128x128xf32, #tpu.memory_space<hbm>>) target(%dma_start3A_92 : memref<128x128xf32, #tpu.memory_space<vmem_shared>>) target_semaphore(%dma_start3A_88 : memref<!tpu.dma_semaphore, #tpu.memory_space<semaphore_mem>>)
    %add3A_95 = arith.constant 1024 : i32
    %add3A_96 = arith.addi %mul3A_0, %add3A_95 : i32
    %dma_start3A_97 = arith.constant 8 : i32
    %dma_start3A_98 = arith.constant 8 : i32
    %dma_start3A_99 = tpu.memref_slice %arg4[%dma_start3A_98] : memref<16x!tpu.dma_semaphore, #tpu.memory_space<semaphore_mem>> -> memref<1x!tpu.dma_semaphore, #tpu.memory_space<semaphore_mem>>
    %dma_start3A_100 = tpu.memref_squeeze %dma_start3A_99 : memref<1x!tpu.dma_semaphore, #tpu.memory_space<semaphore_mem>> -> memref<!tpu.dma_semaphore, #tpu.memory_space<semaphore_mem>>
    %dma_start3A_101 = arith.constant 0 : i32
    %dma_start3A_102 = arith.constant 0 : i32
    %dma_start3A_103 = tpu.memref_slice %arg3[%dma_start3A_97, %dma_start3A_101, %dma_start3A_102] : memref<16x128x128xf32, #tpu.memory_space<vmem_shared>> -> memref<1x128x128xf32, #tpu.memory_space<vmem_shared>>
    %dma_start3A_104 = tpu.memref_squeeze %dma_start3A_103 : memref<1x128x128xf32, #tpu.memory_space<vmem_shared>> -> memref<128x128xf32, #tpu.memory_space<vmem_shared>>
    %dma_start3A_105 = arith.constant 0 : i32
    %dma_start3A_106 = tpu.memref_slice %arg1[%add3A_96, %dma_start3A_105] : memref<8192x128xf32, #tpu.memory_space<hbm>> -> memref<128x128xf32, #tpu.memory_space<hbm>>
    tpu.enqueue_dma source(%dma_start3A_106 : memref<128x128xf32, #tpu.memory_space<hbm>>) target(%dma_start3A_104 : memref<128x128xf32, #tpu.memory_space<vmem_shared>>) target_semaphore(%dma_start3A_100 : memref<!tpu.dma_semaphore, #tpu.memory_space<semaphore_mem>>)
    %add3A_107 = arith.constant 1152 : i32
    %add3A_108 = arith.addi %mul3A_0, %add3A_107 : i32
    %dma_start3A_109 = arith.constant 9 : i32
    %dma_start3A_110 = arith.constant 9 : i32
    %dma_start3A_111 = tpu.memref_slice %arg4[%dma_start3A_110] : memref<16x!tpu.dma_semaphore, #tpu.memory_space<semaphore_mem>> -> memref<1x!tpu.dma_semaphore, #tpu.memory_space<semaphore_mem>>
    %dma_start3A_112 = tpu.memref_squeeze %dma_start3A_111 : memref<1x!tpu.dma_semaphore, #tpu.memory_space<semaphore_mem>> -> memref<!tpu.dma_semaphore, #tpu.memory_space<semaphore_mem>>
    %dma_start3A_113 = arith.constant 0 : i32
    %dma_start3A_114 = arith.constant 0 : i32
    %dma_start3A_115 = tpu.memref_slice %arg3[%dma_start3A_109, %dma_start3A_113, %dma_start3A_114] : memref<16x128x128xf32, #tpu.memory_space<vmem_shared>> -> memref<1x128x128xf32, #tpu.memory_space<vmem_shared>>
    %dma_start3A_116 = tpu.memref_squeeze %dma_start3A_115 : memref<1x128x128xf32, #tpu.memory_space<vmem_shared>> -> memref<128x128xf32, #tpu.memory_space<vmem_shared>>
    %dma_start3A_117 = arith.constant 0 : i32
    %dma_start3A_118 = tpu.memref_slice %arg1[%add3A_108, %dma_start3A_117] : memref<8192x128xf32, #tpu.memory_space<hbm>> -> memref<128x128xf32, #tpu.memory_space<hbm>>
    tpu.enqueue_dma source(%dma_start3A_118 : memref<128x128xf32, #tpu.memory_space<hbm>>) target(%dma_start3A_116 : memref<128x128xf32, #tpu.memory_space<vmem_shared>>) target_semaphore(%dma_start3A_112 : memref<!tpu.dma_semaphore, #tpu.memory_space<semaphore_mem>>)
    %add3A_119 = arith.constant 1280 : i32
    %add3A_120 = arith.addi %mul3A_0, %add3A_119 : i32
    %dma_start3A_121 = arith.constant 10 : i32
    %dma_start3A_122 = arith.constant 10 : i32
    %dma_start3A_123 = tpu.memref_slice %arg4[%dma_start3A_122] : memref<16x!tpu.dma_semaphore, #tpu.memory_space<semaphore_mem>> -> memref<1x!tpu.dma_semaphore, #tpu.memory_space<semaphore_mem>>
    %dma_start3A_124 = tpu.memref_squeeze %dma_start3A_123 : memref<1x!tpu.dma_semaphore, #tpu.memory_space<semaphore_mem>> -> memref<!tpu.dma_semaphore, #tpu.memory_space<semaphore_mem>>
    %dma_start3A_125 = arith.constant 0 : i32
    %dma_start3A_126 = arith.constant 0 : i32
    %dma_start3A_127 = tpu.memref_slice %arg3[%dma_start3A_121, %dma_start3A_125, %dma_start3A_126] : memref<16x128x128xf32, #tpu.memory_space<vmem_shared>> -> memref<1x128x128xf32, #tpu.memory_space<vmem_shared>>
    %dma_start3A_128 = tpu.memref_squeeze %dma_start3A_127 : memref<1x128x128xf32, #tpu.memory_space<vmem_shared>> -> memref<128x128xf32, #tpu.memory_space<vmem_shared>>
    %dma_start3A_129 = arith.constant 0 : i32
    %dma_start3A_130 = tpu.memref_slice %arg1[%add3A_120, %dma_start3A_129] : memref<8192x128xf32, #tpu.memory_space<hbm>> -> memref<128x128xf32, #tpu.memory_space<hbm>>
    tpu.enqueue_dma source(%dma_start3A_130 : memref<128x128xf32, #tpu.memory_space<hbm>>) target(%dma_start3A_128 : memref<128x128xf32, #tpu.memory_space<vmem_shared>>) target_semaphore(%dma_start3A_124 : memref<!tpu.dma_semaphore, #tpu.memory_space<semaphore_mem>>)
    %add3A_131 = arith.constant 1408 : i32
    %add3A_132 = arith.addi %mul3A_0, %add3A_131 : i32
    %dma_start3A_133 = arith.constant 11 : i32
    %dma_start3A_134 = arith.constant 11 : i32
    %dma_start3A_135 = tpu.memref_slice %arg4[%dma_start3A_134] : memref<16x!tpu.dma_semaphore, #tpu.memory_space<semaphore_mem>> -> memref<1x!tpu.dma_semaphore, #tpu.memory_space<semaphore_mem>>
    %dma_start3A_136 = tpu.memref_squeeze %dma_start3A_135 : memref<1x!tpu.dma_semaphore, #tpu.memory_space<semaphore_mem>> -> memref<!tpu.dma_semaphore, #tpu.memory_space<semaphore_mem>>
    %dma_start3A_137 = arith.constant 0 : i32
    %dma_start3A_138 = arith.constant 0 : i32
    %dma_start3A_139 = tpu.memref_slice %arg3[%dma_start3A_133, %dma_start3A_137, %dma_start3A_138] : memref<16x128x128xf32, #tpu.memory_space<vmem_shared>> -> memref<1x128x128xf32, #tpu.memory_space<vmem_shared>>
    %dma_start3A_140 = tpu.memref_squeeze %dma_start3A_139 : memref<1x128x128xf32, #tpu.memory_space<vmem_shared>> -> memref<128x128xf32, #tpu.memory_space<vmem_shared>>
    %dma_start3A_141 = arith.constant 0 : i32
    %dma_start3A_142 = tpu.memref_slice %arg1[%add3A_132, %dma_start3A_141] : memref<8192x128xf32, #tpu.memory_space<hbm>> -> memref<128x128xf32, #tpu.memory_space<hbm>>
    tpu.enqueue_dma source(%dma_start3A_142 : memref<128x128xf32, #tpu.memory_space<hbm>>) target(%dma_start3A_140 : memref<128x128xf32, #tpu.memory_space<vmem_shared>>) target_semaphore(%dma_start3A_136 : memref<!tpu.dma_semaphore, #tpu.memory_space<semaphore_mem>>)
    %add3A_143 = arith.constant 1536 : i32
    %add3A_144 = arith.addi %mul3A_0, %add3A_143 : i32
    %dma_start3A_145 = arith.constant 12 : i32
    %dma_start3A_146 = arith.constant 12 : i32
    %dma_start3A_147 = tpu.memref_slice %arg4[%dma_start3A_146] : memref<16x!tpu.dma_semaphore, #tpu.memory_space<semaphore_mem>> -> memref<1x!tpu.dma_semaphore, #tpu.memory_space<semaphore_mem>>
    %dma_start3A_148 = tpu.memref_squeeze %dma_start3A_147 : memref<1x!tpu.dma_semaphore, #tpu.memory_space<semaphore_mem>> -> memref<!tpu.dma_semaphore, #tpu.memory_space<semaphore_mem>>
    %dma_start3A_149 = arith.constant 0 : i32
    %dma_start3A_150 = arith.constant 0 : i32
    %dma_start3A_151 = tpu.memref_slice %arg3[%dma_start3A_145, %dma_start3A_149, %dma_start3A_150] : memref<16x128x128xf32, #tpu.memory_space<vmem_shared>> -> memref<1x128x128xf32, #tpu.memory_space<vmem_shared>>
    %dma_start3A_152 = tpu.memref_squeeze %dma_start3A_151 : memref<1x128x128xf32, #tpu.memory_space<vmem_shared>> -> memref<128x128xf32, #tpu.memory_space<vmem_shared>>
    %dma_start3A_153 = arith.constant 0 : i32
    %dma_start3A_154 = tpu.memref_slice %arg1[%add3A_144, %dma_start3A_153] : memref<8192x128xf32, #tpu.memory_space<hbm>> -> memref<128x128xf32, #tpu.memory_space<hbm>>
    tpu.enqueue_dma source(%dma_start3A_154 : memref<128x128xf32, #tpu.memory_space<hbm>>) target(%dma_start3A_152 : memref<128x128xf32, #tpu.memory_space<vmem_shared>>) target_semaphore(%dma_start3A_148 : memref<!tpu.dma_semaphore, #tpu.memory_space<semaphore_mem>>)
    %add3A_155 = arith.constant 1664 : i32
    %add3A_156 = arith.addi %mul3A_0, %add3A_155 : i32
    %dma_start3A_157 = arith.constant 13 : i32
    %dma_start3A_158 = arith.constant 13 : i32
    %dma_start3A_159 = tpu.memref_slice %arg4[%dma_start3A_158] : memref<16x!tpu.dma_semaphore, #tpu.memory_space<semaphore_mem>> -> memref<1x!tpu.dma_semaphore, #tpu.memory_space<semaphore_mem>>
    %dma_start3A_160 = tpu.memref_squeeze %dma_start3A_159 : memref<1x!tpu.dma_semaphore, #tpu.memory_space<semaphore_mem>> -> memref<!tpu.dma_semaphore, #tpu.memory_space<semaphore_mem>>
    %dma_start3A_161 = arith.constant 0 : i32
    %dma_start3A_162 = arith.constant 0 : i32
    %dma_start3A_163 = tpu.memref_slice %arg3[%dma_start3A_157, %dma_start3A_161, %dma_start3A_162] : memref<16x128x128xf32, #tpu.memory_space<vmem_shared>> -> memref<1x128x128xf32, #tpu.memory_space<vmem_shared>>
    %dma_start3A_164 = tpu.memref_squeeze %dma_start3A_163 : memref<1x128x128xf32, #tpu.memory_space<vmem_shared>> -> memref<128x128xf32, #tpu.memory_space<vmem_shared>>
    %dma_start3A_165 = arith.constant 0 : i32
    %dma_start3A_166 = tpu.memref_slice %arg1[%add3A_156, %dma_start3A_165] : memref<8192x128xf32, #tpu.memory_space<hbm>> -> memref<128x128xf32, #tpu.memory_space<hbm>>
    tpu.enqueue_dma source(%dma_start3A_166 : memref<128x128xf32, #tpu.memory_space<hbm>>) target(%dma_start3A_164 : memref<128x128xf32, #tpu.memory_space<vmem_shared>>) target_semaphore(%dma_start3A_160 : memref<!tpu.dma_semaphore, #tpu.memory_space<semaphore_mem>>)
    %add3A_167 = arith.constant 1792 : i32
    %add3A_168 = arith.addi %mul3A_0, %add3A_167 : i32
    %dma_start3A_169 = arith.constant 14 : i32
    %dma_start3A_170 = arith.constant 14 : i32
    %dma_start3A_171 = tpu.memref_slice %arg4[%dma_start3A_170] : memref<16x!tpu.dma_semaphore, #tpu.memory_space<semaphore_mem>> -> memref<1x!tpu.dma_semaphore, #tpu.memory_space<semaphore_mem>>
    %dma_start3A_172 = tpu.memref_squeeze %dma_start3A_171 : memref<1x!tpu.dma_semaphore, #tpu.memory_space<semaphore_mem>> -> memref<!tpu.dma_semaphore, #tpu.memory_space<semaphore_mem>>
    %dma_start3A_173 = arith.constant 0 : i32
    %dma_start3A_174 = arith.constant 0 : i32
    %dma_start3A_175 = tpu.memref_slice %arg3[%dma_start3A_169, %dma_start3A_173, %dma_start3A_174] : memref<16x128x128xf32, #tpu.memory_space<vmem_shared>> -> memref<1x128x128xf32, #tpu.memory_space<vmem_shared>>
    %dma_start3A_176 = tpu.memref_squeeze %dma_start3A_175 : memref<1x128x128xf32, #tpu.memory_space<vmem_shared>> -> memref<128x128xf32, #tpu.memory_space<vmem_shared>>
    %dma_start3A_177 = arith.constant 0 : i32
    %dma_start3A_178 = tpu.memref_slice %arg1[%add3A_168, %dma_start3A_177] : memref<8192x128xf32, #tpu.memory_space<hbm>> -> memref<128x128xf32, #tpu.memory_space<hbm>>
    tpu.enqueue_dma source(%dma_start3A_178 : memref<128x128xf32, #tpu.memory_space<hbm>>) target(%dma_start3A_176 : memref<128x128xf32, #tpu.memory_space<vmem_shared>>) target_semaphore(%dma_start3A_172 : memref<!tpu.dma_semaphore, #tpu.memory_space<semaphore_mem>>)
    %add3A_179 = arith.constant 1920 : i32
    %add3A_180 = arith.addi %mul3A_0, %add3A_179 : i32
    %dma_start3A_181 = arith.constant 15 : i32
    %dma_start3A_182 = arith.constant 15 : i32
    %dma_start3A_183 = tpu.memref_slice %arg4[%dma_start3A_182] : memref<16x!tpu.dma_semaphore, #tpu.memory_space<semaphore_mem>> -> memref<1x!tpu.dma_semaphore, #tpu.memory_space<semaphore_mem>>
    %dma_start3A_184 = tpu.memref_squeeze %dma_start3A_183 : memref<1x!tpu.dma_semaphore, #tpu.memory_space<semaphore_mem>> -> memref<!tpu.dma_semaphore, #tpu.memory_space<semaphore_mem>>
    %dma_start3A_185 = arith.constant 0 : i32
    %dma_start3A_186 = arith.constant 0 : i32
    %dma_start3A_187 = tpu.memref_slice %arg3[%dma_start3A_181, %dma_start3A_185, %dma_start3A_186] : memref<16x128x128xf32, #tpu.memory_space<vmem_shared>> -> memref<1x128x128xf32, #tpu.memory_space<vmem_shared>>
    %dma_start3A_188 = tpu.memref_squeeze %dma_start3A_187 : memref<1x128x128xf32, #tpu.memory_space<vmem_shared>> -> memref<128x128xf32, #tpu.memory_space<vmem_shared>>
    %dma_start3A_189 = arith.constant 0 : i32
    %dma_start3A_190 = tpu.memref_slice %arg1[%add3A_180, %dma_start3A_189] : memref<8192x128xf32, #tpu.memory_space<hbm>> -> memref<128x128xf32, #tpu.memory_space<hbm>>
    tpu.enqueue_dma source(%dma_start3A_190 : memref<128x128xf32, #tpu.memory_space<hbm>>) target(%dma_start3A_188 : memref<128x128xf32, #tpu.memory_space<vmem_shared>>) target_semaphore(%dma_start3A_184 : memref<!tpu.dma_semaphore, #tpu.memory_space<semaphore_mem>>)
    %dma_wait3A = arith.constant 0 : i32
    %dma_wait3A_191 = arith.constant 0 : i32
    %dma_wait3A_192 = tpu.memref_slice %arg4[%dma_wait3A_191] : memref<16x!tpu.dma_semaphore, #tpu.memory_space<semaphore_mem>> -> memref<1x!tpu.dma_semaphore, #tpu.memory_space<semaphore_mem>>
    %dma_wait3A_193 = tpu.memref_squeeze %dma_wait3A_192 : memref<1x!tpu.dma_semaphore, #tpu.memory_space<semaphore_mem>> -> memref<!tpu.dma_semaphore, #tpu.memory_space<semaphore_mem>>
    %dma_wait3A_194 = arith.constant 0 : i32
    %dma_wait3A_195 = arith.constant 0 : i32
    %dma_wait3A_196 = tpu.memref_slice %arg3[%dma_wait3A, %dma_wait3A_194, %dma_wait3A_195] : memref<16x128x128xf32, #tpu.memory_space<vmem_shared>> -> memref<1x128x128xf32, #tpu.memory_space<vmem_shared>>
    %dma_wait3A_197 = tpu.memref_squeeze %dma_wait3A_196 : memref<1x128x128xf32, #tpu.memory_space<vmem_shared>> -> memref<128x128xf32, #tpu.memory_space<vmem_shared>>
    %dma_wait3A_198 = arith.constant 0 : i32
    %dma_wait3A_199 = tpu.memref_slice %arg1[%add3A_1, %dma_wait3A_198] : memref<8192x128xf32, #tpu.memory_space<hbm>> -> memref<128x128xf32, #tpu.memory_space<hbm>>
    tpu.wait_dma2 semaphore(%dma_wait3A_193 : memref<!tpu.dma_semaphore, #tpu.memory_space<semaphore_mem>>) src(%dma_wait3A_199 : memref<128x128xf32, #tpu.memory_space<hbm>>) dst(%dma_wait3A_197 : memref<128x128xf32, #tpu.memory_space<vmem_shared>>)
    %add3A_200 = arith.constant 0 : i32
    %add3A_201 = arith.addi %mul3A_0, %add3A_200 : i32
    %dma_start3A_202 = arith.constant 0 : i32
    %dma_start3A_203 = arith.constant 0 : i32
    %dma_start3A_204 = tpu.memref_slice %arg2[%add3A_201, %dma_start3A_203] : memref<8192x128xf32, #tpu.memory_space<hbm>> -> memref<128x128xf32, #tpu.memory_space<hbm>>
    %dma_start3A_205 = arith.constant 0 : i32
    %dma_start3A_206 = arith.constant 0 : i32
    %dma_start3A_207 = tpu.memref_slice %arg3[%dma_start3A_202, %dma_start3A_205, %dma_start3A_206] : memref<16x128x128xf32, #tpu.memory_space<vmem_shared>> -> memref<1x128x128xf32, #tpu.memory_space<vmem_shared>>
    %dma_start3A_208 = tpu.memref_squeeze %dma_start3A_207 : memref<1x128x128xf32, #tpu.memory_space<vmem_shared>> -> memref<128x128xf32, #tpu.memory_space<vmem_shared>>
    tpu.enqueue_dma source(%dma_start3A_208 : memref<128x128xf32, #tpu.memory_space<vmem_shared>>) target(%dma_start3A_204 : memref<128x128xf32, #tpu.memory_space<hbm>>) target_semaphore(%arg5 : memref<!tpu.dma_semaphore, #tpu.memory_space<semaphore_mem>>)
    %dma_wait3A_209 = arith.constant 1 : i32
    %dma_wait3A_210 = arith.constant 1 : i32
    %dma_wait3A_211 = tpu.memref_slice %arg4[%dma_wait3A_210] : memref<16x!tpu.dma_semaphore, #tpu.memory_space<semaphore_mem>> -> memref<1x!tpu.dma_semaphore, #tpu.memory_space<semaphore_mem>>
    %dma_wait3A_212 = tpu.memref_squeeze %dma_wait3A_211 : memref<1x!tpu.dma_semaphore, #tpu.memory_space<semaphore_mem>> -> memref<!tpu.dma_semaphore, #tpu.memory_space<semaphore_mem>>
    %dma_wait3A_213 = arith.constant 0 : i32
    %dma_wait3A_214 = arith.constant 0 : i32
    %dma_wait3A_215 = tpu.memref_slice %arg3[%dma_wait3A_209, %dma_wait3A_213, %dma_wait3A_214] : memref<16x128x128xf32, #tpu.memory_space<vmem_shared>> -> memref<1x128x128xf32, #tpu.memory_space<vmem_shared>>
    %dma_wait3A_216 = tpu.memref_squeeze %dma_wait3A_215 : memref<1x128x128xf32, #tpu.memory_space<vmem_shared>> -> memref<128x128xf32, #tpu.memory_space<vmem_shared>>
    %dma_wait3A_217 = arith.constant 0 : i32
    %dma_wait3A_218 = tpu.memref_slice %arg1[%add3A_12, %dma_wait3A_217] : memref<8192x128xf32, #tpu.memory_space<hbm>> -> memref<128x128xf32, #tpu.memory_space<hbm>>
    tpu.wait_dma2 semaphore(%dma_wait3A_212 : memref<!tpu.dma_semaphore, #tpu.memory_space<semaphore_mem>>) src(%dma_wait3A_218 : memref<128x128xf32, #tpu.memory_space<hbm>>) dst(%dma_wait3A_216 : memref<128x128xf32, #tpu.memory_space<vmem_shared>>)
    %add3A_219 = arith.constant 128 : i32
    %add3A_220 = arith.addi %mul3A_0, %add3A_219 : i32
    %dma_start3A_221 = arith.constant 1 : i32
    %dma_start3A_222 = arith.constant 0 : i32
    %dma_start3A_223 = tpu.memref_slice %arg2[%add3A_220, %dma_start3A_222] : memref<8192x128xf32, #tpu.memory_space<hbm>> -> memref<128x128xf32, #tpu.memory_space<hbm>>
    %dma_start3A_224 = arith.constant 0 : i32
    %dma_start3A_225 = arith.constant 0 : i32
    %dma_start3A_226 = tpu.memref_slice %arg3[%dma_start3A_221, %dma_start3A_224, %dma_start3A_225] : memref<16x128x128xf32, #tpu.memory_space<vmem_shared>> -> memref<1x128x128xf32, #tpu.memory_space<vmem_shared>>
    %dma_start3A_227 = tpu.memref_squeeze %dma_start3A_226 : memref<1x128x128xf32, #tpu.memory_space<vmem_shared>> -> memref<128x128xf32, #tpu.memory_space<vmem_shared>>
    tpu.enqueue_dma source(%dma_start3A_227 : memref<128x128xf32, #tpu.memory_space<vmem_shared>>) target(%dma_start3A_223 : memref<128x128xf32, #tpu.memory_space<hbm>>) target_semaphore(%arg5 : memref<!tpu.dma_semaphore, #tpu.memory_space<semaphore_mem>>)
    %dma_wait3A_228 = arith.constant 2 : i32
    %dma_wait3A_229 = arith.constant 2 : i32
    %dma_wait3A_230 = tpu.memref_slice %arg4[%dma_wait3A_229] : memref<16x!tpu.dma_semaphore, #tpu.memory_space<semaphore_mem>> -> memref<1x!tpu.dma_semaphore, #tpu.memory_space<semaphore_mem>>
    %dma_wait3A_231 = tpu.memref_squeeze %dma_wait3A_230 : memref<1x!tpu.dma_semaphore, #tpu.memory_space<semaphore_mem>> -> memref<!tpu.dma_semaphore, #tpu.memory_space<semaphore_mem>>
    %dma_wait3A_232 = arith.constant 0 : i32
    %dma_wait3A_233 = arith.constant 0 : i32
    %dma_wait3A_234 = tpu.memref_slice %arg3[%dma_wait3A_228, %dma_wait3A_232, %dma_wait3A_233] : memref<16x128x128xf32, #tpu.memory_space<vmem_shared>> -> memref<1x128x128xf32, #tpu.memory_space<vmem_shared>>
    %dma_wait3A_235 = tpu.memref_squeeze %dma_wait3A_234 : memref<1x128x128xf32, #tpu.memory_space<vmem_shared>> -> memref<128x128xf32, #tpu.memory_space<vmem_shared>>
    %dma_wait3A_236 = arith.constant 0 : i32
    %dma_wait3A_237 = tpu.memref_slice %arg1[%add3A_24, %dma_wait3A_236] : memref<8192x128xf32, #tpu.memory_space<hbm>> -> memref<128x128xf32, #tpu.memory_space<hbm>>
    tpu.wait_dma2 semaphore(%dma_wait3A_231 : memref<!tpu.dma_semaphore, #tpu.memory_space<semaphore_mem>>) src(%dma_wait3A_237 : memref<128x128xf32, #tpu.memory_space<hbm>>) dst(%dma_wait3A_235 : memref<128x128xf32, #tpu.memory_space<vmem_shared>>)
    %add3A_238 = arith.constant 256 : i32
    %add3A_239 = arith.addi %mul3A_0, %add3A_238 : i32
    %dma_start3A_240 = arith.constant 2 : i32
    %dma_start3A_241 = arith.constant 0 : i32
    %dma_start3A_242 = tpu.memref_slice %arg2[%add3A_239, %dma_start3A_241] : memref<8192x128xf32, #tpu.memory_space<hbm>> -> memref<128x128xf32, #tpu.memory_space<hbm>>
    %dma_start3A_243 = arith.constant 0 : i32
    %dma_start3A_244 = arith.constant 0 : i32
    %dma_start3A_245 = tpu.memref_slice %arg3[%dma_start3A_240, %dma_start3A_243, %dma_start3A_244] : memref<16x128x128xf32, #tpu.memory_space<vmem_shared>> -> memref<1x128x128xf32, #tpu.memory_space<vmem_shared>>
    %dma_start3A_246 = tpu.memref_squeeze %dma_start3A_245 : memref<1x128x128xf32, #tpu.memory_space<vmem_shared>> -> memref<128x128xf32, #tpu.memory_space<vmem_shared>>
    tpu.enqueue_dma source(%dma_start3A_246 : memref<128x128xf32, #tpu.memory_space<vmem_shared>>) target(%dma_start3A_242 : memref<128x128xf32, #tpu.memory_space<hbm>>) target_semaphore(%arg5 : memref<!tpu.dma_semaphore, #tpu.memory_space<semaphore_mem>>)
    %dma_wait3A_247 = arith.constant 3 : i32
    %dma_wait3A_248 = arith.constant 3 : i32
    %dma_wait3A_249 = tpu.memref_slice %arg4[%dma_wait3A_248] : memref<16x!tpu.dma_semaphore, #tpu.memory_space<semaphore_mem>> -> memref<1x!tpu.dma_semaphore, #tpu.memory_space<semaphore_mem>>
    %dma_wait3A_250 = tpu.memref_squeeze %dma_wait3A_249 : memref<1x!tpu.dma_semaphore, #tpu.memory_space<semaphore_mem>> -> memref<!tpu.dma_semaphore, #tpu.memory_space<semaphore_mem>>
    %dma_wait3A_251 = arith.constant 0 : i32
    %dma_wait3A_252 = arith.constant 0 : i32
    %dma_wait3A_253 = tpu.memref_slice %arg3[%dma_wait3A_247, %dma_wait3A_251, %dma_wait3A_252] : memref<16x128x128xf32, #tpu.memory_space<vmem_shared>> -> memref<1x128x128xf32, #tpu.memory_space<vmem_shared>>
    %dma_wait3A_254 = tpu.memref_squeeze %dma_wait3A_253 : memref<1x128x128xf32, #tpu.memory_space<vmem_shared>> -> memref<128x128xf32, #tpu.memory_space<vmem_shared>>
    %dma_wait3A_255 = arith.constant 0 : i32
    %dma_wait3A_256 = tpu.memref_slice %arg1[%add3A_36, %dma_wait3A_255] : memref<8192x128xf32, #tpu.memory_space<hbm>> -> memref<128x128xf32, #tpu.memory_space<hbm>>
    tpu.wait_dma2 semaphore(%dma_wait3A_250 : memref<!tpu.dma_semaphore, #tpu.memory_space<semaphore_mem>>) src(%dma_wait3A_256 : memref<128x128xf32, #tpu.memory_space<hbm>>) dst(%dma_wait3A_254 : memref<128x128xf32, #tpu.memory_space<vmem_shared>>)
    %add3A_257 = arith.constant 384 : i32
    %add3A_258 = arith.addi %mul3A_0, %add3A_257 : i32
    %dma_start3A_259 = arith.constant 3 : i32
    %dma_start3A_260 = arith.constant 0 : i32
    %dma_start3A_261 = tpu.memref_slice %arg2[%add3A_258, %dma_start3A_260] : memref<8192x128xf32, #tpu.memory_space<hbm>> -> memref<128x128xf32, #tpu.memory_space<hbm>>
    %dma_start3A_262 = arith.constant 0 : i32
    %dma_start3A_263 = arith.constant 0 : i32
    %dma_start3A_264 = tpu.memref_slice %arg3[%dma_start3A_259, %dma_start3A_262, %dma_start3A_263] : memref<16x128x128xf32, #tpu.memory_space<vmem_shared>> -> memref<1x128x128xf32, #tpu.memory_space<vmem_shared>>
    %dma_start3A_265 = tpu.memref_squeeze %dma_start3A_264 : memref<1x128x128xf32, #tpu.memory_space<vmem_shared>> -> memref<128x128xf32, #tpu.memory_space<vmem_shared>>
    tpu.enqueue_dma source(%dma_start3A_265 : memref<128x128xf32, #tpu.memory_space<vmem_shared>>) target(%dma_start3A_261 : memref<128x128xf32, #tpu.memory_space<hbm>>) target_semaphore(%arg5 : memref<!tpu.dma_semaphore, #tpu.memory_space<semaphore_mem>>)
    %dma_wait3A_266 = arith.constant 4 : i32
    %dma_wait3A_267 = arith.constant 4 : i32
    %dma_wait3A_268 = tpu.memref_slice %arg4[%dma_wait3A_267] : memref<16x!tpu.dma_semaphore, #tpu.memory_space<semaphore_mem>> -> memref<1x!tpu.dma_semaphore, #tpu.memory_space<semaphore_mem>>
    %dma_wait3A_269 = tpu.memref_squeeze %dma_wait3A_268 : memref<1x!tpu.dma_semaphore, #tpu.memory_space<semaphore_mem>> -> memref<!tpu.dma_semaphore, #tpu.memory_space<semaphore_mem>>
    %dma_wait3A_270 = arith.constant 0 : i32
    %dma_wait3A_271 = arith.constant 0 : i32
    %dma_wait3A_272 = tpu.memref_slice %arg3[%dma_wait3A_266, %dma_wait3A_270, %dma_wait3A_271] : memref<16x128x128xf32, #tpu.memory_space<vmem_shared>> -> memref<1x128x128xf32, #tpu.memory_space<vmem_shared>>
    %dma_wait3A_273 = tpu.memref_squeeze %dma_wait3A_272 : memref<1x128x128xf32, #tpu.memory_space<vmem_shared>> -> memref<128x128xf32, #tpu.memory_space<vmem_shared>>
    %dma_wait3A_274 = arith.constant 0 : i32
    %dma_wait3A_275 = tpu.memref_slice %arg1[%add3A_48, %dma_wait3A_274] : memref<8192x128xf32, #tpu.memory_space<hbm>> -> memref<128x128xf32, #tpu.memory_space<hbm>>
    tpu.wait_dma2 semaphore(%dma_wait3A_269 : memref<!tpu.dma_semaphore, #tpu.memory_space<semaphore_mem>>) src(%dma_wait3A_275 : memref<128x128xf32, #tpu.memory_space<hbm>>) dst(%dma_wait3A_273 : memref<128x128xf32, #tpu.memory_space<vmem_shared>>)
    %add3A_276 = arith.constant 512 : i32
    %add3A_277 = arith.addi %mul3A_0, %add3A_276 : i32
    %dma_start3A_278 = arith.constant 4 : i32
    %dma_start3A_279 = arith.constant 0 : i32
    %dma_start3A_280 = tpu.memref_slice %arg2[%add3A_277, %dma_start3A_279] : memref<8192x128xf32, #tpu.memory_space<hbm>> -> memref<128x128xf32, #tpu.memory_space<hbm>>
    %dma_start3A_281 = arith.constant 0 : i32
    %dma_start3A_282 = arith.constant 0 : i32
    %dma_start3A_283 = tpu.memref_slice %arg3[%dma_start3A_278, %dma_start3A_281, %dma_start3A_282] : memref<16x128x128xf32, #tpu.memory_space<vmem_shared>> -> memref<1x128x128xf32, #tpu.memory_space<vmem_shared>>
    %dma_start3A_284 = tpu.memref_squeeze %dma_start3A_283 : memref<1x128x128xf32, #tpu.memory_space<vmem_shared>> -> memref<128x128xf32, #tpu.memory_space<vmem_shared>>
    tpu.enqueue_dma source(%dma_start3A_284 : memref<128x128xf32, #tpu.memory_space<vmem_shared>>) target(%dma_start3A_280 : memref<128x128xf32, #tpu.memory_space<hbm>>) target_semaphore(%arg5 : memref<!tpu.dma_semaphore, #tpu.memory_space<semaphore_mem>>)
    %dma_wait3A_285 = arith.constant 5 : i32
    %dma_wait3A_286 = arith.constant 5 : i32
    %dma_wait3A_287 = tpu.memref_slice %arg4[%dma_wait3A_286] : memref<16x!tpu.dma_semaphore, #tpu.memory_space<semaphore_mem>> -> memref<1x!tpu.dma_semaphore, #tpu.memory_space<semaphore_mem>>
    %dma_wait3A_288 = tpu.memref_squeeze %dma_wait3A_287 : memref<1x!tpu.dma_semaphore, #tpu.memory_space<semaphore_mem>> -> memref<!tpu.dma_semaphore, #tpu.memory_space<semaphore_mem>>
    %dma_wait3A_289 = arith.constant 0 : i32
    %dma_wait3A_290 = arith.constant 0 : i32
    %dma_wait3A_291 = tpu.memref_slice %arg3[%dma_wait3A_285, %dma_wait3A_289, %dma_wait3A_290] : memref<16x128x128xf32, #tpu.memory_space<vmem_shared>> -> memref<1x128x128xf32, #tpu.memory_space<vmem_shared>>
    %dma_wait3A_292 = tpu.memref_squeeze %dma_wait3A_291 : memref<1x128x128xf32, #tpu.memory_space<vmem_shared>> -> memref<128x128xf32, #tpu.memory_space<vmem_shared>>
    %dma_wait3A_293 = arith.constant 0 : i32
    %dma_wait3A_294 = tpu.memref_slice %arg1[%add3A_60, %dma_wait3A_293] : memref<8192x128xf32, #tpu.memory_space<hbm>> -> memref<128x128xf32, #tpu.memory_space<hbm>>
    tpu.wait_dma2 semaphore(%dma_wait3A_288 : memref<!tpu.dma_semaphore, #tpu.memory_space<semaphore_mem>>) src(%dma_wait3A_294 : memref<128x128xf32, #tpu.memory_space<hbm>>) dst(%dma_wait3A_292 : memref<128x128xf32, #tpu.memory_space<vmem_shared>>)
    %add3A_295 = arith.constant 640 : i32
    %add3A_296 = arith.addi %mul3A_0, %add3A_295 : i32
    %dma_start3A_297 = arith.constant 5 : i32
    %dma_start3A_298 = arith.constant 0 : i32
    %dma_start3A_299 = tpu.memref_slice %arg2[%add3A_296, %dma_start3A_298] : memref<8192x128xf32, #tpu.memory_space<hbm>> -> memref<128x128xf32, #tpu.memory_space<hbm>>
    %dma_start3A_300 = arith.constant 0 : i32
    %dma_start3A_301 = arith.constant 0 : i32
    %dma_start3A_302 = tpu.memref_slice %arg3[%dma_start3A_297, %dma_start3A_300, %dma_start3A_301] : memref<16x128x128xf32, #tpu.memory_space<vmem_shared>> -> memref<1x128x128xf32, #tpu.memory_space<vmem_shared>>
    %dma_start3A_303 = tpu.memref_squeeze %dma_start3A_302 : memref<1x128x128xf32, #tpu.memory_space<vmem_shared>> -> memref<128x128xf32, #tpu.memory_space<vmem_shared>>
    tpu.enqueue_dma source(%dma_start3A_303 : memref<128x128xf32, #tpu.memory_space<vmem_shared>>) target(%dma_start3A_299 : memref<128x128xf32, #tpu.memory_space<hbm>>) target_semaphore(%arg5 : memref<!tpu.dma_semaphore, #tpu.memory_space<semaphore_mem>>)
    %dma_wait3A_304 = arith.constant 6 : i32
    %dma_wait3A_305 = arith.constant 6 : i32
    %dma_wait3A_306 = tpu.memref_slice %arg4[%dma_wait3A_305] : memref<16x!tpu.dma_semaphore, #tpu.memory_space<semaphore_mem>> -> memref<1x!tpu.dma_semaphore, #tpu.memory_space<semaphore_mem>>
    %dma_wait3A_307 = tpu.memref_squeeze %dma_wait3A_306 : memref<1x!tpu.dma_semaphore, #tpu.memory_space<semaphore_mem>> -> memref<!tpu.dma_semaphore, #tpu.memory_space<semaphore_mem>>
    %dma_wait3A_308 = arith.constant 0 : i32
    %dma_wait3A_309 = arith.constant 0 : i32
    %dma_wait3A_310 = tpu.memref_slice %arg3[%dma_wait3A_304, %dma_wait3A_308, %dma_wait3A_309] : memref<16x128x128xf32, #tpu.memory_space<vmem_shared>> -> memref<1x128x128xf32, #tpu.memory_space<vmem_shared>>
    %dma_wait3A_311 = tpu.memref_squeeze %dma_wait3A_310 : memref<1x128x128xf32, #tpu.memory_space<vmem_shared>> -> memref<128x128xf32, #tpu.memory_space<vmem_shared>>
    %dma_wait3A_312 = arith.constant 0 : i32
    %dma_wait3A_313 = tpu.memref_slice %arg1[%add3A_72, %dma_wait3A_312] : memref<8192x128xf32, #tpu.memory_space<hbm>> -> memref<128x128xf32, #tpu.memory_space<hbm>>
    tpu.wait_dma2 semaphore(%dma_wait3A_307 : memref<!tpu.dma_semaphore, #tpu.memory_space<semaphore_mem>>) src(%dma_wait3A_313 : memref<128x128xf32, #tpu.memory_space<hbm>>) dst(%dma_wait3A_311 : memref<128x128xf32, #tpu.memory_space<vmem_shared>>)
    %add3A_314 = arith.constant 768 : i32
    %add3A_315 = arith.addi %mul3A_0, %add3A_314 : i32
    %dma_start3A_316 = arith.constant 6 : i32
    %dma_start3A_317 = arith.constant 0 : i32
    %dma_start3A_318 = tpu.memref_slice %arg2[%add3A_315, %dma_start3A_317] : memref<8192x128xf32, #tpu.memory_space<hbm>> -> memref<128x128xf32, #tpu.memory_space<hbm>>
    %dma_start3A_319 = arith.constant 0 : i32
    %dma_start3A_320 = arith.constant 0 : i32
    %dma_start3A_321 = tpu.memref_slice %arg3[%dma_start3A_316, %dma_start3A_319, %dma_start3A_320] : memref<16x128x128xf32, #tpu.memory_space<vmem_shared>> -> memref<1x128x128xf32, #tpu.memory_space<vmem_shared>>
    %dma_start3A_322 = tpu.memref_squeeze %dma_start3A_321 : memref<1x128x128xf32, #tpu.memory_space<vmem_shared>> -> memref<128x128xf32, #tpu.memory_space<vmem_shared>>
    tpu.enqueue_dma source(%dma_start3A_322 : memref<128x128xf32, #tpu.memory_space<vmem_shared>>) target(%dma_start3A_318 : memref<128x128xf32, #tpu.memory_space<hbm>>) target_semaphore(%arg5 : memref<!tpu.dma_semaphore, #tpu.memory_space<semaphore_mem>>)
    %dma_wait3A_323 = arith.constant 7 : i32
    %dma_wait3A_324 = arith.constant 7 : i32
    %dma_wait3A_325 = tpu.memref_slice %arg4[%dma_wait3A_324] : memref<16x!tpu.dma_semaphore, #tpu.memory_space<semaphore_mem>> -> memref<1x!tpu.dma_semaphore, #tpu.memory_space<semaphore_mem>>
    %dma_wait3A_326 = tpu.memref_squeeze %dma_wait3A_325 : memref<1x!tpu.dma_semaphore, #tpu.memory_space<semaphore_mem>> -> memref<!tpu.dma_semaphore, #tpu.memory_space<semaphore_mem>>
    %dma_wait3A_327 = arith.constant 0 : i32
    %dma_wait3A_328 = arith.constant 0 : i32
    %dma_wait3A_329 = tpu.memref_slice %arg3[%dma_wait3A_323, %dma_wait3A_327, %dma_wait3A_328] : memref<16x128x128xf32, #tpu.memory_space<vmem_shared>> -> memref<1x128x128xf32, #tpu.memory_space<vmem_shared>>
    %dma_wait3A_330 = tpu.memref_squeeze %dma_wait3A_329 : memref<1x128x128xf32, #tpu.memory_space<vmem_shared>> -> memref<128x128xf32, #tpu.memory_space<vmem_shared>>
    %dma_wait3A_331 = arith.constant 0 : i32
    %dma_wait3A_332 = tpu.memref_slice %arg1[%add3A_84, %dma_wait3A_331] : memref<8192x128xf32, #tpu.memory_space<hbm>> -> memref<128x128xf32, #tpu.memory_space<hbm>>
    tpu.wait_dma2 semaphore(%dma_wait3A_326 : memref<!tpu.dma_semaphore, #tpu.memory_space<semaphore_mem>>) src(%dma_wait3A_332 : memref<128x128xf32, #tpu.memory_space<hbm>>) dst(%dma_wait3A_330 : memref<128x128xf32, #tpu.memory_space<vmem_shared>>)
    %add3A_333 = arith.constant 896 : i32
    %add3A_334 = arith.addi %mul3A_0, %add3A_333 : i32
    %dma_start3A_335 = arith.constant 7 : i32
    %dma_start3A_336 = arith.constant 0 : i32
    %dma_start3A_337 = tpu.memref_slice %arg2[%add3A_334, %dma_start3A_336] : memref<8192x128xf32, #tpu.memory_space<hbm>> -> memref<128x128xf32, #tpu.memory_space<hbm>>
    %dma_start3A_338 = arith.constant 0 : i32
    %dma_start3A_339 = arith.constant 0 : i32
    %dma_start3A_340 = tpu.memref_slice %arg3[%dma_start3A_335, %dma_start3A_338, %dma_start3A_339] : memref<16x128x128xf32, #tpu.memory_space<vmem_shared>> -> memref<1x128x128xf32, #tpu.memory_space<vmem_shared>>
    %dma_start3A_341 = tpu.memref_squeeze %dma_start3A_340 : memref<1x128x128xf32, #tpu.memory_space<vmem_shared>> -> memref<128x128xf32, #tpu.memory_space<vmem_shared>>
    tpu.enqueue_dma source(%dma_start3A_341 : memref<128x128xf32, #tpu.memory_space<vmem_shared>>) target(%dma_start3A_337 : memref<128x128xf32, #tpu.memory_space<hbm>>) target_semaphore(%arg5 : memref<!tpu.dma_semaphore, #tpu.memory_space<semaphore_mem>>)
    %dma_wait3A_342 = arith.constant 8 : i32
    %dma_wait3A_343 = arith.constant 8 : i32
    %dma_wait3A_344 = tpu.memref_slice %arg4[%dma_wait3A_343] : memref<16x!tpu.dma_semaphore, #tpu.memory_space<semaphore_mem>> -> memref<1x!tpu.dma_semaphore, #tpu.memory_space<semaphore_mem>>
    %dma_wait3A_345 = tpu.memref_squeeze %dma_wait3A_344 : memref<1x!tpu.dma_semaphore, #tpu.memory_space<semaphore_mem>> -> memref<!tpu.dma_semaphore, #tpu.memory_space<semaphore_mem>>
    %dma_wait3A_346 = arith.constant 0 : i32
    %dma_wait3A_347 = arith.constant 0 : i32
    %dma_wait3A_348 = tpu.memref_slice %arg3[%dma_wait3A_342, %dma_wait3A_346, %dma_wait3A_347] : memref<16x128x128xf32, #tpu.memory_space<vmem_shared>> -> memref<1x128x128xf32, #tpu.memory_space<vmem_shared>>
    %dma_wait3A_349 = tpu.memref_squeeze %dma_wait3A_348 : memref<1x128x128xf32, #tpu.memory_space<vmem_shared>> -> memref<128x128xf32, #tpu.memory_space<vmem_shared>>
    %dma_wait3A_350 = arith.constant 0 : i32
    %dma_wait3A_351 = tpu.memref_slice %arg1[%add3A_96, %dma_wait3A_350] : memref<8192x128xf32, #tpu.memory_space<hbm>> -> memref<128x128xf32, #tpu.memory_space<hbm>>
    tpu.wait_dma2 semaphore(%dma_wait3A_345 : memref<!tpu.dma_semaphore, #tpu.memory_space<semaphore_mem>>) src(%dma_wait3A_351 : memref<128x128xf32, #tpu.memory_space<hbm>>) dst(%dma_wait3A_349 : memref<128x128xf32, #tpu.memory_space<vmem_shared>>)
    %add3A_352 = arith.constant 1024 : i32
    %add3A_353 = arith.addi %mul3A_0, %add3A_352 : i32
    %dma_start3A_354 = arith.constant 8 : i32
    %dma_start3A_355 = arith.constant 0 : i32
    %dma_start3A_356 = tpu.memref_slice %arg2[%add3A_353, %dma_start3A_355] : memref<8192x128xf32, #tpu.memory_space<hbm>> -> memref<128x128xf32, #tpu.memory_space<hbm>>
    %dma_start3A_357 = arith.constant 0 : i32
    %dma_start3A_358 = arith.constant 0 : i32
    %dma_start3A_359 = tpu.memref_slice %arg3[%dma_start3A_354, %dma_start3A_357, %dma_start3A_358] : memref<16x128x128xf32, #tpu.memory_space<vmem_shared>> -> memref<1x128x128xf32, #tpu.memory_space<vmem_shared>>
    %dma_start3A_360 = tpu.memref_squeeze %dma_start3A_359 : memref<1x128x128xf32, #tpu.memory_space<vmem_shared>> -> memref<128x128xf32, #tpu.memory_space<vmem_shared>>
    tpu.enqueue_dma source(%dma_start3A_360 : memref<128x128xf32, #tpu.memory_space<vmem_shared>>) target(%dma_start3A_356 : memref<128x128xf32, #tpu.memory_space<hbm>>) target_semaphore(%arg5 : memref<!tpu.dma_semaphore, #tpu.memory_space<semaphore_mem>>)
    %dma_wait3A_361 = arith.constant 9 : i32
    %dma_wait3A_362 = arith.constant 9 : i32
    %dma_wait3A_363 = tpu.memref_slice %arg4[%dma_wait3A_362] : memref<16x!tpu.dma_semaphore, #tpu.memory_space<semaphore_mem>> -> memref<1x!tpu.dma_semaphore, #tpu.memory_space<semaphore_mem>>
    %dma_wait3A_364 = tpu.memref_squeeze %dma_wait3A_363 : memref<1x!tpu.dma_semaphore, #tpu.memory_space<semaphore_mem>> -> memref<!tpu.dma_semaphore, #tpu.memory_space<semaphore_mem>>
    %dma_wait3A_365 = arith.constant 0 : i32
    %dma_wait3A_366 = arith.constant 0 : i32
    %dma_wait3A_367 = tpu.memref_slice %arg3[%dma_wait3A_361, %dma_wait3A_365, %dma_wait3A_366] : memref<16x128x128xf32, #tpu.memory_space<vmem_shared>> -> memref<1x128x128xf32, #tpu.memory_space<vmem_shared>>
    %dma_wait3A_368 = tpu.memref_squeeze %dma_wait3A_367 : memref<1x128x128xf32, #tpu.memory_space<vmem_shared>> -> memref<128x128xf32, #tpu.memory_space<vmem_shared>>
    %dma_wait3A_369 = arith.constant 0 : i32
    %dma_wait3A_370 = tpu.memref_slice %arg1[%add3A_108, %dma_wait3A_369] : memref<8192x128xf32, #tpu.memory_space<hbm>> -> memref<128x128xf32, #tpu.memory_space<hbm>>
    tpu.wait_dma2 semaphore(%dma_wait3A_364 : memref<!tpu.dma_semaphore, #tpu.memory_space<semaphore_mem>>) src(%dma_wait3A_370 : memref<128x128xf32, #tpu.memory_space<hbm>>) dst(%dma_wait3A_368 : memref<128x128xf32, #tpu.memory_space<vmem_shared>>)
    %add3A_371 = arith.constant 1152 : i32
    %add3A_372 = arith.addi %mul3A_0, %add3A_371 : i32
    %dma_start3A_373 = arith.constant 9 : i32
    %dma_start3A_374 = arith.constant 0 : i32
    %dma_start3A_375 = tpu.memref_slice %arg2[%add3A_372, %dma_start3A_374] : memref<8192x128xf32, #tpu.memory_space<hbm>> -> memref<128x128xf32, #tpu.memory_space<hbm>>
    %dma_start3A_376 = arith.constant 0 : i32
    %dma_start3A_377 = arith.constant 0 : i32
    %dma_start3A_378 = tpu.memref_slice %arg3[%dma_start3A_373, %dma_start3A_376, %dma_start3A_377] : memref<16x128x128xf32, #tpu.memory_space<vmem_shared>> -> memref<1x128x128xf32, #tpu.memory_space<vmem_shared>>
    %dma_start3A_379 = tpu.memref_squeeze %dma_start3A_378 : memref<1x128x128xf32, #tpu.memory_space<vmem_shared>> -> memref<128x128xf32, #tpu.memory_space<vmem_shared>>
    tpu.enqueue_dma source(%dma_start3A_379 : memref<128x128xf32, #tpu.memory_space<vmem_shared>>) target(%dma_start3A_375 : memref<128x128xf32, #tpu.memory_space<hbm>>) target_semaphore(%arg5 : memref<!tpu.dma_semaphore, #tpu.memory_space<semaphore_mem>>)
    %dma_wait3A_380 = arith.constant 10 : i32
    %dma_wait3A_381 = arith.constant 10 : i32
    %dma_wait3A_382 = tpu.memref_slice %arg4[%dma_wait3A_381] : memref<16x!tpu.dma_semaphore, #tpu.memory_space<semaphore_mem>> -> memref<1x!tpu.dma_semaphore, #tpu.memory_space<semaphore_mem>>
    %dma_wait3A_383 = tpu.memref_squeeze %dma_wait3A_382 : memref<1x!tpu.dma_semaphore, #tpu.memory_space<semaphore_mem>> -> memref<!tpu.dma_semaphore, #tpu.memory_space<semaphore_mem>>
    %dma_wait3A_384 = arith.constant 0 : i32
    %dma_wait3A_385 = arith.constant 0 : i32
    %dma_wait3A_386 = tpu.memref_slice %arg3[%dma_wait3A_380, %dma_wait3A_384, %dma_wait3A_385] : memref<16x128x128xf32, #tpu.memory_space<vmem_shared>> -> memref<1x128x128xf32, #tpu.memory_space<vmem_shared>>
    %dma_wait3A_387 = tpu.memref_squeeze %dma_wait3A_386 : memref<1x128x128xf32, #tpu.memory_space<vmem_shared>> -> memref<128x128xf32, #tpu.memory_space<vmem_shared>>
    %dma_wait3A_388 = arith.constant 0 : i32
    %dma_wait3A_389 = tpu.memref_slice %arg1[%add3A_120, %dma_wait3A_388] : memref<8192x128xf32, #tpu.memory_space<hbm>> -> memref<128x128xf32, #tpu.memory_space<hbm>>
    tpu.wait_dma2 semaphore(%dma_wait3A_383 : memref<!tpu.dma_semaphore, #tpu.memory_space<semaphore_mem>>) src(%dma_wait3A_389 : memref<128x128xf32, #tpu.memory_space<hbm>>) dst(%dma_wait3A_387 : memref<128x128xf32, #tpu.memory_space<vmem_shared>>)
    %add3A_390 = arith.constant 1280 : i32
    %add3A_391 = arith.addi %mul3A_0, %add3A_390 : i32
    %dma_start3A_392 = arith.constant 10 : i32
    %dma_start3A_393 = arith.constant 0 : i32
    %dma_start3A_394 = tpu.memref_slice %arg2[%add3A_391, %dma_start3A_393] : memref<8192x128xf32, #tpu.memory_space<hbm>> -> memref<128x128xf32, #tpu.memory_space<hbm>>
    %dma_start3A_395 = arith.constant 0 : i32
    %dma_start3A_396 = arith.constant 0 : i32
    %dma_start3A_397 = tpu.memref_slice %arg3[%dma_start3A_392, %dma_start3A_395, %dma_start3A_396] : memref<16x128x128xf32, #tpu.memory_space<vmem_shared>> -> memref<1x128x128xf32, #tpu.memory_space<vmem_shared>>
    %dma_start3A_398 = tpu.memref_squeeze %dma_start3A_397 : memref<1x128x128xf32, #tpu.memory_space<vmem_shared>> -> memref<128x128xf32, #tpu.memory_space<vmem_shared>>
    tpu.enqueue_dma source(%dma_start3A_398 : memref<128x128xf32, #tpu.memory_space<vmem_shared>>) target(%dma_start3A_394 : memref<128x128xf32, #tpu.memory_space<hbm>>) target_semaphore(%arg5 : memref<!tpu.dma_semaphore, #tpu.memory_space<semaphore_mem>>)
    %dma_wait3A_399 = arith.constant 11 : i32
    %dma_wait3A_400 = arith.constant 11 : i32
    %dma_wait3A_401 = tpu.memref_slice %arg4[%dma_wait3A_400] : memref<16x!tpu.dma_semaphore, #tpu.memory_space<semaphore_mem>> -> memref<1x!tpu.dma_semaphore, #tpu.memory_space<semaphore_mem>>
    %dma_wait3A_402 = tpu.memref_squeeze %dma_wait3A_401 : memref<1x!tpu.dma_semaphore, #tpu.memory_space<semaphore_mem>> -> memref<!tpu.dma_semaphore, #tpu.memory_space<semaphore_mem>>
    %dma_wait3A_403 = arith.constant 0 : i32
    %dma_wait3A_404 = arith.constant 0 : i32
    %dma_wait3A_405 = tpu.memref_slice %arg3[%dma_wait3A_399, %dma_wait3A_403, %dma_wait3A_404] : memref<16x128x128xf32, #tpu.memory_space<vmem_shared>> -> memref<1x128x128xf32, #tpu.memory_space<vmem_shared>>
    %dma_wait3A_406 = tpu.memref_squeeze %dma_wait3A_405 : memref<1x128x128xf32, #tpu.memory_space<vmem_shared>> -> memref<128x128xf32, #tpu.memory_space<vmem_shared>>
    %dma_wait3A_407 = arith.constant 0 : i32
    %dma_wait3A_408 = tpu.memref_slice %arg1[%add3A_132, %dma_wait3A_407] : memref<8192x128xf32, #tpu.memory_space<hbm>> -> memref<128x128xf32, #tpu.memory_space<hbm>>
    tpu.wait_dma2 semaphore(%dma_wait3A_402 : memref<!tpu.dma_semaphore, #tpu.memory_space<semaphore_mem>>) src(%dma_wait3A_408 : memref<128x128xf32, #tpu.memory_space<hbm>>) dst(%dma_wait3A_406 : memref<128x128xf32, #tpu.memory_space<vmem_shared>>)
    %add3A_409 = arith.constant 1408 : i32
    %add3A_410 = arith.addi %mul3A_0, %add3A_409 : i32
    %dma_start3A_411 = arith.constant 11 : i32
    %dma_start3A_412 = arith.constant 0 : i32
    %dma_start3A_413 = tpu.memref_slice %arg2[%add3A_410, %dma_start3A_412] : memref<8192x128xf32, #tpu.memory_space<hbm>> -> memref<128x128xf32, #tpu.memory_space<hbm>>
    %dma_start3A_414 = arith.constant 0 : i32
    %dma_start3A_415 = arith.constant 0 : i32
    %dma_start3A_416 = tpu.memref_slice %arg3[%dma_start3A_411, %dma_start3A_414, %dma_start3A_415] : memref<16x128x128xf32, #tpu.memory_space<vmem_shared>> -> memref<1x128x128xf32, #tpu.memory_space<vmem_shared>>
    %dma_start3A_417 = tpu.memref_squeeze %dma_start3A_416 : memref<1x128x128xf32, #tpu.memory_space<vmem_shared>> -> memref<128x128xf32, #tpu.memory_space<vmem_shared>>
    tpu.enqueue_dma source(%dma_start3A_417 : memref<128x128xf32, #tpu.memory_space<vmem_shared>>) target(%dma_start3A_413 : memref<128x128xf32, #tpu.memory_space<hbm>>) target_semaphore(%arg5 : memref<!tpu.dma_semaphore, #tpu.memory_space<semaphore_mem>>)
    %dma_wait3A_418 = arith.constant 12 : i32
    %dma_wait3A_419 = arith.constant 12 : i32
    %dma_wait3A_420 = tpu.memref_slice %arg4[%dma_wait3A_419] : memref<16x!tpu.dma_semaphore, #tpu.memory_space<semaphore_mem>> -> memref<1x!tpu.dma_semaphore, #tpu.memory_space<semaphore_mem>>
    %dma_wait3A_421 = tpu.memref_squeeze %dma_wait3A_420 : memref<1x!tpu.dma_semaphore, #tpu.memory_space<semaphore_mem>> -> memref<!tpu.dma_semaphore, #tpu.memory_space<semaphore_mem>>
    %dma_wait3A_422 = arith.constant 0 : i32
    %dma_wait3A_423 = arith.constant 0 : i32
    %dma_wait3A_424 = tpu.memref_slice %arg3[%dma_wait3A_418, %dma_wait3A_422, %dma_wait3A_423] : memref<16x128x128xf32, #tpu.memory_space<vmem_shared>> -> memref<1x128x128xf32, #tpu.memory_space<vmem_shared>>
    %dma_wait3A_425 = tpu.memref_squeeze %dma_wait3A_424 : memref<1x128x128xf32, #tpu.memory_space<vmem_shared>> -> memref<128x128xf32, #tpu.memory_space<vmem_shared>>
    %dma_wait3A_426 = arith.constant 0 : i32
    %dma_wait3A_427 = tpu.memref_slice %arg1[%add3A_144, %dma_wait3A_426] : memref<8192x128xf32, #tpu.memory_space<hbm>> -> memref<128x128xf32, #tpu.memory_space<hbm>>
    tpu.wait_dma2 semaphore(%dma_wait3A_421 : memref<!tpu.dma_semaphore, #tpu.memory_space<semaphore_mem>>) src(%dma_wait3A_427 : memref<128x128xf32, #tpu.memory_space<hbm>>) dst(%dma_wait3A_425 : memref<128x128xf32, #tpu.memory_space<vmem_shared>>)
    %add3A_428 = arith.constant 1536 : i32
    %add3A_429 = arith.addi %mul3A_0, %add3A_428 : i32
    %dma_start3A_430 = arith.constant 12 : i32
    %dma_start3A_431 = arith.constant 0 : i32
    %dma_start3A_432 = tpu.memref_slice %arg2[%add3A_429, %dma_start3A_431] : memref<8192x128xf32, #tpu.memory_space<hbm>> -> memref<128x128xf32, #tpu.memory_space<hbm>>
    %dma_start3A_433 = arith.constant 0 : i32
    %dma_start3A_434 = arith.constant 0 : i32
    %dma_start3A_435 = tpu.memref_slice %arg3[%dma_start3A_430, %dma_start3A_433, %dma_start3A_434] : memref<16x128x128xf32, #tpu.memory_space<vmem_shared>> -> memref<1x128x128xf32, #tpu.memory_space<vmem_shared>>
    %dma_start3A_436 = tpu.memref_squeeze %dma_start3A_435 : memref<1x128x128xf32, #tpu.memory_space<vmem_shared>> -> memref<128x128xf32, #tpu.memory_space<vmem_shared>>
    tpu.enqueue_dma source(%dma_start3A_436 : memref<128x128xf32, #tpu.memory_space<vmem_shared>>) target(%dma_start3A_432 : memref<128x128xf32, #tpu.memory_space<hbm>>) target_semaphore(%arg5 : memref<!tpu.dma_semaphore, #tpu.memory_space<semaphore_mem>>)
    %dma_wait3A_437 = arith.constant 13 : i32
    %dma_wait3A_438 = arith.constant 13 : i32
    %dma_wait3A_439 = tpu.memref_slice %arg4[%dma_wait3A_438] : memref<16x!tpu.dma_semaphore, #tpu.memory_space<semaphore_mem>> -> memref<1x!tpu.dma_semaphore, #tpu.memory_space<semaphore_mem>>
    %dma_wait3A_440 = tpu.memref_squeeze %dma_wait3A_439 : memref<1x!tpu.dma_semaphore, #tpu.memory_space<semaphore_mem>> -> memref<!tpu.dma_semaphore, #tpu.memory_space<semaphore_mem>>
    %dma_wait3A_441 = arith.constant 0 : i32
    %dma_wait3A_442 = arith.constant 0 : i32
    %dma_wait3A_443 = tpu.memref_slice %arg3[%dma_wait3A_437, %dma_wait3A_441, %dma_wait3A_442] : memref<16x128x128xf32, #tpu.memory_space<vmem_shared>> -> memref<1x128x128xf32, #tpu.memory_space<vmem_shared>>
    %dma_wait3A_444 = tpu.memref_squeeze %dma_wait3A_443 : memref<1x128x128xf32, #tpu.memory_space<vmem_shared>> -> memref<128x128xf32, #tpu.memory_space<vmem_shared>>
    %dma_wait3A_445 = arith.constant 0 : i32
    %dma_wait3A_446 = tpu.memref_slice %arg1[%add3A_156, %dma_wait3A_445] : memref<8192x128xf32, #tpu.memory_space<hbm>> -> memref<128x128xf32, #tpu.memory_space<hbm>>
    tpu.wait_dma2 semaphore(%dma_wait3A_440 : memref<!tpu.dma_semaphore, #tpu.memory_space<semaphore_mem>>) src(%dma_wait3A_446 : memref<128x128xf32, #tpu.memory_space<hbm>>) dst(%dma_wait3A_444 : memref<128x128xf32, #tpu.memory_space<vmem_shared>>)
    %add3A_447 = arith.constant 1664 : i32
    %add3A_448 = arith.addi %mul3A_0, %add3A_447 : i32
    %dma_start3A_449 = arith.constant 13 : i32
    %dma_start3A_450 = arith.constant 0 : i32
    %dma_start3A_451 = tpu.memref_slice %arg2[%add3A_448, %dma_start3A_450] : memref<8192x128xf32, #tpu.memory_space<hbm>> -> memref<128x128xf32, #tpu.memory_space<hbm>>
    %dma_start3A_452 = arith.constant 0 : i32
    %dma_start3A_453 = arith.constant 0 : i32
    %dma_start3A_454 = tpu.memref_slice %arg3[%dma_start3A_449, %dma_start3A_452, %dma_start3A_453] : memref<16x128x128xf32, #tpu.memory_space<vmem_shared>> -> memref<1x128x128xf32, #tpu.memory_space<vmem_shared>>
    %dma_start3A_455 = tpu.memref_squeeze %dma_start3A_454 : memref<1x128x128xf32, #tpu.memory_space<vmem_shared>> -> memref<128x128xf32, #tpu.memory_space<vmem_shared>>
    tpu.enqueue_dma source(%dma_start3A_455 : memref<128x128xf32, #tpu.memory_space<vmem_shared>>) target(%dma_start3A_451 : memref<128x128xf32, #tpu.memory_space<hbm>>) target_semaphore(%arg5 : memref<!tpu.dma_semaphore, #tpu.memory_space<semaphore_mem>>)
    %dma_wait3A_456 = arith.constant 14 : i32
    %dma_wait3A_457 = arith.constant 14 : i32
    %dma_wait3A_458 = tpu.memref_slice %arg4[%dma_wait3A_457] : memref<16x!tpu.dma_semaphore, #tpu.memory_space<semaphore_mem>> -> memref<1x!tpu.dma_semaphore, #tpu.memory_space<semaphore_mem>>
    %dma_wait3A_459 = tpu.memref_squeeze %dma_wait3A_458 : memref<1x!tpu.dma_semaphore, #tpu.memory_space<semaphore_mem>> -> memref<!tpu.dma_semaphore, #tpu.memory_space<semaphore_mem>>
    %dma_wait3A_460 = arith.constant 0 : i32
    %dma_wait3A_461 = arith.constant 0 : i32
    %dma_wait3A_462 = tpu.memref_slice %arg3[%dma_wait3A_456, %dma_wait3A_460, %dma_wait3A_461] : memref<16x128x128xf32, #tpu.memory_space<vmem_shared>> -> memref<1x128x128xf32, #tpu.memory_space<vmem_shared>>
    %dma_wait3A_463 = tpu.memref_squeeze %dma_wait3A_462 : memref<1x128x128xf32, #tpu.memory_space<vmem_shared>> -> memref<128x128xf32, #tpu.memory_space<vmem_shared>>
    %dma_wait3A_464 = arith.constant 0 : i32
    %dma_wait3A_465 = tpu.memref_slice %arg1[%add3A_168, %dma_wait3A_464] : memref<8192x128xf32, #tpu.memory_space<hbm>> -> memref<128x128xf32, #tpu.memory_space<hbm>>
    tpu.wait_dma2 semaphore(%dma_wait3A_459 : memref<!tpu.dma_semaphore, #tpu.memory_space<semaphore_mem>>) src(%dma_wait3A_465 : memref<128x128xf32, #tpu.memory_space<hbm>>) dst(%dma_wait3A_463 : memref<128x128xf32, #tpu.memory_space<vmem_shared>>)
    %add3A_466 = arith.constant 1792 : i32
    %add3A_467 = arith.addi %mul3A_0, %add3A_466 : i32
    %dma_start3A_468 = arith.constant 14 : i32
    %dma_start3A_469 = arith.constant 0 : i32
    %dma_start3A_470 = tpu.memref_slice %arg2[%add3A_467, %dma_start3A_469] : memref<8192x128xf32, #tpu.memory_space<hbm>> -> memref<128x128xf32, #tpu.memory_space<hbm>>
    %dma_start3A_471 = arith.constant 0 : i32
    %dma_start3A_472 = arith.constant 0 : i32
    %dma_start3A_473 = tpu.memref_slice %arg3[%dma_start3A_468, %dma_start3A_471, %dma_start3A_472] : memref<16x128x128xf32, #tpu.memory_space<vmem_shared>> -> memref<1x128x128xf32, #tpu.memory_space<vmem_shared>>
    %dma_start3A_474 = tpu.memref_squeeze %dma_start3A_473 : memref<1x128x128xf32, #tpu.memory_space<vmem_shared>> -> memref<128x128xf32, #tpu.memory_space<vmem_shared>>
    tpu.enqueue_dma source(%dma_start3A_474 : memref<128x128xf32, #tpu.memory_space<vmem_shared>>) target(%dma_start3A_470 : memref<128x128xf32, #tpu.memory_space<hbm>>) target_semaphore(%arg5 : memref<!tpu.dma_semaphore, #tpu.memory_space<semaphore_mem>>)
    %dma_wait3A_475 = arith.constant 15 : i32
    %dma_wait3A_476 = arith.constant 15 : i32
    %dma_wait3A_477 = tpu.memref_slice %arg4[%dma_wait3A_476] : memref<16x!tpu.dma_semaphore, #tpu.memory_space<semaphore_mem>> -> memref<1x!tpu.dma_semaphore, #tpu.memory_space<semaphore_mem>>
    %dma_wait3A_478 = tpu.memref_squeeze %dma_wait3A_477 : memref<1x!tpu.dma_semaphore, #tpu.memory_space<semaphore_mem>> -> memref<!tpu.dma_semaphore, #tpu.memory_space<semaphore_mem>>
    %dma_wait3A_479 = arith.constant 0 : i32
    %dma_wait3A_480 = arith.constant 0 : i32
    %dma_wait3A_481 = tpu.memref_slice %arg3[%dma_wait3A_475, %dma_wait3A_479, %dma_wait3A_480] : memref<16x128x128xf32, #tpu.memory_space<vmem_shared>> -> memref<1x128x128xf32, #tpu.memory_space<vmem_shared>>
    %dma_wait3A_482 = tpu.memref_squeeze %dma_wait3A_481 : memref<1x128x128xf32, #tpu.memory_space<vmem_shared>> -> memref<128x128xf32, #tpu.memory_space<vmem_shared>>
    %dma_wait3A_483 = arith.constant 0 : i32
    %dma_wait3A_484 = tpu.memref_slice %arg1[%add3A_180, %dma_wait3A_483] : memref<8192x128xf32, #tpu.memory_space<hbm>> -> memref<128x128xf32, #tpu.memory_space<hbm>>
    tpu.wait_dma2 semaphore(%dma_wait3A_478 : memref<!tpu.dma_semaphore, #tpu.memory_space<semaphore_mem>>) src(%dma_wait3A_484 : memref<128x128xf32, #tpu.memory_space<hbm>>) dst(%dma_wait3A_482 : memref<128x128xf32, #tpu.memory_space<vmem_shared>>)
    %add3A_485 = arith.constant 1920 : i32
    %add3A_486 = arith.addi %mul3A_0, %add3A_485 : i32
    %dma_start3A_487 = arith.constant 15 : i32
    %dma_start3A_488 = arith.constant 0 : i32
    %dma_start3A_489 = tpu.memref_slice %arg2[%add3A_486, %dma_start3A_488] : memref<8192x128xf32, #tpu.memory_space<hbm>> -> memref<128x128xf32, #tpu.memory_space<hbm>>
    %dma_start3A_490 = arith.constant 0 : i32
    %dma_start3A_491 = arith.constant 0 : i32
    %dma_start3A_492 = tpu.memref_slice %arg3[%dma_start3A_487, %dma_start3A_490, %dma_start3A_491] : memref<16x128x128xf32, #tpu.memory_space<vmem_shared>> -> memref<1x128x128xf32, #tpu.memory_space<vmem_shared>>
    %dma_start3A_493 = tpu.memref_squeeze %dma_start3A_492 : memref<1x128x128xf32, #tpu.memory_space<vmem_shared>> -> memref<128x128xf32, #tpu.memory_space<vmem_shared>>
    tpu.enqueue_dma source(%dma_start3A_493 : memref<128x128xf32, #tpu.memory_space<vmem_shared>>) target(%dma_start3A_489 : memref<128x128xf32, #tpu.memory_space<hbm>>) target_semaphore(%arg5 : memref<!tpu.dma_semaphore, #tpu.memory_space<semaphore_mem>>)
    %dma_wait3A_494 = arith.constant 0 : i32
    %dma_wait3A_495 = arith.constant 0 : i32
    %dma_wait3A_496 = tpu.memref_slice %arg2[%add3A_201, %dma_wait3A_495] : memref<8192x128xf32, #tpu.memory_space<hbm>> -> memref<128x128xf32, #tpu.memory_space<hbm>>
    %dma_wait3A_497 = arith.constant 0 : i32
    %dma_wait3A_498 = arith.constant 0 : i32
    %dma_wait3A_499 = tpu.memref_slice %arg3[%dma_wait3A_494, %dma_wait3A_497, %dma_wait3A_498] : memref<16x128x128xf32, #tpu.memory_space<vmem_shared>> -> memref<1x128x128xf32, #tpu.memory_space<vmem_shared>>
    %dma_wait3A_500 = tpu.memref_squeeze %dma_wait3A_499 : memref<1x128x128xf32, #tpu.memory_space<vmem_shared>> -> memref<128x128xf32, #tpu.memory_space<vmem_shared>>
    tpu.wait_dma2 semaphore(%arg5 : memref<!tpu.dma_semaphore, #tpu.memory_space<semaphore_mem>>) src(%dma_wait3A_500 : memref<128x128xf32, #tpu.memory_space<vmem_shared>>) dst(%dma_wait3A_496 : memref<128x128xf32, #tpu.memory_space<hbm>>)
    %dma_wait3A_501 = arith.constant 1 : i32
    %dma_wait3A_502 = arith.constant 0 : i32
    %dma_wait3A_503 = tpu.memref_slice %arg2[%add3A_220, %dma_wait3A_502] : memref<8192x128xf32, #tpu.memory_space<hbm>> -> memref<128x128xf32, #tpu.memory_space<hbm>>
    %dma_wait3A_504 = arith.constant 0 : i32
    %dma_wait3A_505 = arith.constant 0 : i32
    %dma_wait3A_506 = tpu.memref_slice %arg3[%dma_wait3A_501, %dma_wait3A_504, %dma_wait3A_505] : memref<16x128x128xf32, #tpu.memory_space<vmem_shared>> -> memref<1x128x128xf32, #tpu.memory_space<vmem_shared>>
    %dma_wait3A_507 = tpu.memref_squeeze %dma_wait3A_506 : memref<1x128x128xf32, #tpu.memory_space<vmem_shared>> -> memref<128x128xf32, #tpu.memory_space<vmem_shared>>
    tpu.wait_dma2 semaphore(%arg5 : memref<!tpu.dma_semaphore, #tpu.memory_space<semaphore_mem>>) src(%dma_wait3A_507 : memref<128x128xf32, #tpu.memory_space<vmem_shared>>) dst(%dma_wait3A_503 : memref<128x128xf32, #tpu.memory_space<hbm>>)
    %dma_wait3A_508 = arith.constant 2 : i32
    %dma_wait3A_509 = arith.constant 0 : i32
    %dma_wait3A_510 = tpu.memref_slice %arg2[%add3A_239, %dma_wait3A_509] : memref<8192x128xf32, #tpu.memory_space<hbm>> -> memref<128x128xf32, #tpu.memory_space<hbm>>
    %dma_wait3A_511 = arith.constant 0 : i32
    %dma_wait3A_512 = arith.constant 0 : i32
    %dma_wait3A_513 = tpu.memref_slice %arg3[%dma_wait3A_508, %dma_wait3A_511, %dma_wait3A_512] : memref<16x128x128xf32, #tpu.memory_space<vmem_shared>> -> memref<1x128x128xf32, #tpu.memory_space<vmem_shared>>
    %dma_wait3A_514 = tpu.memref_squeeze %dma_wait3A_513 : memref<1x128x128xf32, #tpu.memory_space<vmem_shared>> -> memref<128x128xf32, #tpu.memory_space<vmem_shared>>
    tpu.wait_dma2 semaphore(%arg5 : memref<!tpu.dma_semaphore, #tpu.memory_space<semaphore_mem>>) src(%dma_wait3A_514 : memref<128x128xf32, #tpu.memory_space<vmem_shared>>) dst(%dma_wait3A_510 : memref<128x128xf32, #tpu.memory_space<hbm>>)
    %dma_wait3A_515 = arith.constant 3 : i32
    %dma_wait3A_516 = arith.constant 0 : i32
    %dma_wait3A_517 = tpu.memref_slice %arg2[%add3A_258, %dma_wait3A_516] : memref<8192x128xf32, #tpu.memory_space<hbm>> -> memref<128x128xf32, #tpu.memory_space<hbm>>
    %dma_wait3A_518 = arith.constant 0 : i32
    %dma_wait3A_519 = arith.constant 0 : i32
    %dma_wait3A_520 = tpu.memref_slice %arg3[%dma_wait3A_515, %dma_wait3A_518, %dma_wait3A_519] : memref<16x128x128xf32, #tpu.memory_space<vmem_shared>> -> memref<1x128x128xf32, #tpu.memory_space<vmem_shared>>
    %dma_wait3A_521 = tpu.memref_squeeze %dma_wait3A_520 : memref<1x128x128xf32, #tpu.memory_space<vmem_shared>> -> memref<128x128xf32, #tpu.memory_space<vmem_shared>>
    tpu.wait_dma2 semaphore(%arg5 : memref<!tpu.dma_semaphore, #tpu.memory_space<semaphore_mem>>) src(%dma_wait3A_521 : memref<128x128xf32, #tpu.memory_space<vmem_shared>>) dst(%dma_wait3A_517 : memref<128x128xf32, #tpu.memory_space<hbm>>)
    %dma_wait3A_522 = arith.constant 4 : i32
    %dma_wait3A_523 = arith.constant 0 : i32
    %dma_wait3A_524 = tpu.memref_slice %arg2[%add3A_277, %dma_wait3A_523] : memref<8192x128xf32, #tpu.memory_space<hbm>> -> memref<128x128xf32, #tpu.memory_space<hbm>>
    %dma_wait3A_525 = arith.constant 0 : i32
    %dma_wait3A_526 = arith.constant 0 : i32
    %dma_wait3A_527 = tpu.memref_slice %arg3[%dma_wait3A_522, %dma_wait3A_525, %dma_wait3A_526] : memref<16x128x128xf32, #tpu.memory_space<vmem_shared>> -> memref<1x128x128xf32, #tpu.memory_space<vmem_shared>>
    %dma_wait3A_528 = tpu.memref_squeeze %dma_wait3A_527 : memref<1x128x128xf32, #tpu.memory_space<vmem_shared>> -> memref<128x128xf32, #tpu.memory_space<vmem_shared>>
    tpu.wait_dma2 semaphore(%arg5 : memref<!tpu.dma_semaphore, #tpu.memory_space<semaphore_mem>>) src(%dma_wait3A_528 : memref<128x128xf32, #tpu.memory_space<vmem_shared>>) dst(%dma_wait3A_524 : memref<128x128xf32, #tpu.memory_space<hbm>>)
    %dma_wait3A_529 = arith.constant 5 : i32
    %dma_wait3A_530 = arith.constant 0 : i32
    %dma_wait3A_531 = tpu.memref_slice %arg2[%add3A_296, %dma_wait3A_530] : memref<8192x128xf32, #tpu.memory_space<hbm>> -> memref<128x128xf32, #tpu.memory_space<hbm>>
    %dma_wait3A_532 = arith.constant 0 : i32
    %dma_wait3A_533 = arith.constant 0 : i32
    %dma_wait3A_534 = tpu.memref_slice %arg3[%dma_wait3A_529, %dma_wait3A_532, %dma_wait3A_533] : memref<16x128x128xf32, #tpu.memory_space<vmem_shared>> -> memref<1x128x128xf32, #tpu.memory_space<vmem_shared>>
    %dma_wait3A_535 = tpu.memref_squeeze %dma_wait3A_534 : memref<1x128x128xf32, #tpu.memory_space<vmem_shared>> -> memref<128x128xf32, #tpu.memory_space<vmem_shared>>
    tpu.wait_dma2 semaphore(%arg5 : memref<!tpu.dma_semaphore, #tpu.memory_space<semaphore_mem>>) src(%dma_wait3A_535 : memref<128x128xf32, #tpu.memory_space<vmem_shared>>) dst(%dma_wait3A_531 : memref<128x128xf32, #tpu.memory_space<hbm>>)
    %dma_wait3A_536 = arith.constant 6 : i32
    %dma_wait3A_537 = arith.constant 0 : i32
    %dma_wait3A_538 = tpu.memref_slice %arg2[%add3A_315, %dma_wait3A_537] : memref<8192x128xf32, #tpu.memory_space<hbm>> -> memref<128x128xf32, #tpu.memory_space<hbm>>
    %dma_wait3A_539 = arith.constant 0 : i32
    %dma_wait3A_540 = arith.constant 0 : i32
    %dma_wait3A_541 = tpu.memref_slice %arg3[%dma_wait3A_536, %dma_wait3A_539, %dma_wait3A_540] : memref<16x128x128xf32, #tpu.memory_space<vmem_shared>> -> memref<1x128x128xf32, #tpu.memory_space<vmem_shared>>
    %dma_wait3A_542 = tpu.memref_squeeze %dma_wait3A_541 : memref<1x128x128xf32, #tpu.memory_space<vmem_shared>> -> memref<128x128xf32, #tpu.memory_space<vmem_shared>>
    tpu.wait_dma2 semaphore(%arg5 : memref<!tpu.dma_semaphore, #tpu.memory_space<semaphore_mem>>) src(%dma_wait3A_542 : memref<128x128xf32, #tpu.memory_space<vmem_shared>>) dst(%dma_wait3A_538 : memref<128x128xf32, #tpu.memory_space<hbm>>)
    %dma_wait3A_543 = arith.constant 7 : i32
    %dma_wait3A_544 = arith.constant 0 : i32
    %dma_wait3A_545 = tpu.memref_slice %arg2[%add3A_334, %dma_wait3A_544] : memref<8192x128xf32, #tpu.memory_space<hbm>> -> memref<128x128xf32, #tpu.memory_space<hbm>>
    %dma_wait3A_546 = arith.constant 0 : i32
    %dma_wait3A_547 = arith.constant 0 : i32
    %dma_wait3A_548 = tpu.memref_slice %arg3[%dma_wait3A_543, %dma_wait3A_546, %dma_wait3A_547] : memref<16x128x128xf32, #tpu.memory_space<vmem_shared>> -> memref<1x128x128xf32, #tpu.memory_space<vmem_shared>>
    %dma_wait3A_549 = tpu.memref_squeeze %dma_wait3A_548 : memref<1x128x128xf32, #tpu.memory_space<vmem_shared>> -> memref<128x128xf32, #tpu.memory_space<vmem_shared>>
    tpu.wait_dma2 semaphore(%arg5 : memref<!tpu.dma_semaphore, #tpu.memory_space<semaphore_mem>>) src(%dma_wait3A_549 : memref<128x128xf32, #tpu.memory_space<vmem_shared>>) dst(%dma_wait3A_545 : memref<128x128xf32, #tpu.memory_space<hbm>>)
    %dma_wait3A_550 = arith.constant 8 : i32
    %dma_wait3A_551 = arith.constant 0 : i32
    %dma_wait3A_552 = tpu.memref_slice %arg2[%add3A_353, %dma_wait3A_551] : memref<8192x128xf32, #tpu.memory_space<hbm>> -> memref<128x128xf32, #tpu.memory_space<hbm>>
    %dma_wait3A_553 = arith.constant 0 : i32
    %dma_wait3A_554 = arith.constant 0 : i32
    %dma_wait3A_555 = tpu.memref_slice %arg3[%dma_wait3A_550, %dma_wait3A_553, %dma_wait3A_554] : memref<16x128x128xf32, #tpu.memory_space<vmem_shared>> -> memref<1x128x128xf32, #tpu.memory_space<vmem_shared>>
    %dma_wait3A_556 = tpu.memref_squeeze %dma_wait3A_555 : memref<1x128x128xf32, #tpu.memory_space<vmem_shared>> -> memref<128x128xf32, #tpu.memory_space<vmem_shared>>
    tpu.wait_dma2 semaphore(%arg5 : memref<!tpu.dma_semaphore, #tpu.memory_space<semaphore_mem>>) src(%dma_wait3A_556 : memref<128x128xf32, #tpu.memory_space<vmem_shared>>) dst(%dma_wait3A_552 : memref<128x128xf32, #tpu.memory_space<hbm>>)
    %dma_wait3A_557 = arith.constant 9 : i32
    %dma_wait3A_558 = arith.constant 0 : i32
    %dma_wait3A_559 = tpu.memref_slice %arg2[%add3A_372, %dma_wait3A_558] : memref<8192x128xf32, #tpu.memory_space<hbm>> -> memref<128x128xf32, #tpu.memory_space<hbm>>
    %dma_wait3A_560 = arith.constant 0 : i32
    %dma_wait3A_561 = arith.constant 0 : i32
    %dma_wait3A_562 = tpu.memref_slice %arg3[%dma_wait3A_557, %dma_wait3A_560, %dma_wait3A_561] : memref<16x128x128xf32, #tpu.memory_space<vmem_shared>> -> memref<1x128x128xf32, #tpu.memory_space<vmem_shared>>
    %dma_wait3A_563 = tpu.memref_squeeze %dma_wait3A_562 : memref<1x128x128xf32, #tpu.memory_space<vmem_shared>> -> memref<128x128xf32, #tpu.memory_space<vmem_shared>>
    tpu.wait_dma2 semaphore(%arg5 : memref<!tpu.dma_semaphore, #tpu.memory_space<semaphore_mem>>) src(%dma_wait3A_563 : memref<128x128xf32, #tpu.memory_space<vmem_shared>>) dst(%dma_wait3A_559 : memref<128x128xf32, #tpu.memory_space<hbm>>)
    %dma_wait3A_564 = arith.constant 10 : i32
    %dma_wait3A_565 = arith.constant 0 : i32
    %dma_wait3A_566 = tpu.memref_slice %arg2[%add3A_391, %dma_wait3A_565] : memref<8192x128xf32, #tpu.memory_space<hbm>> -> memref<128x128xf32, #tpu.memory_space<hbm>>
    %dma_wait3A_567 = arith.constant 0 : i32
    %dma_wait3A_568 = arith.constant 0 : i32
    %dma_wait3A_569 = tpu.memref_slice %arg3[%dma_wait3A_564, %dma_wait3A_567, %dma_wait3A_568] : memref<16x128x128xf32, #tpu.memory_space<vmem_shared>> -> memref<1x128x128xf32, #tpu.memory_space<vmem_shared>>
    %dma_wait3A_570 = tpu.memref_squeeze %dma_wait3A_569 : memref<1x128x128xf32, #tpu.memory_space<vmem_shared>> -> memref<128x128xf32, #tpu.memory_space<vmem_shared>>
    tpu.wait_dma2 semaphore(%arg5 : memref<!tpu.dma_semaphore, #tpu.memory_space<semaphore_mem>>) src(%dma_wait3A_570 : memref<128x128xf32, #tpu.memory_space<vmem_shared>>) dst(%dma_wait3A_566 : memref<128x128xf32, #tpu.memory_space<hbm>>)
    %dma_wait3A_571 = arith.constant 11 : i32
    %dma_wait3A_572 = arith.constant 0 : i32
    %dma_wait3A_573 = tpu.memref_slice %arg2[%add3A_410, %dma_wait3A_572] : memref<8192x128xf32, #tpu.memory_space<hbm>> -> memref<128x128xf32, #tpu.memory_space<hbm>>
    %dma_wait3A_574 = arith.constant 0 : i32
    %dma_wait3A_575 = arith.constant 0 : i32
    %dma_wait3A_576 = tpu.memref_slice %arg3[%dma_wait3A_571, %dma_wait3A_574, %dma_wait3A_575] : memref<16x128x128xf32, #tpu.memory_space<vmem_shared>> -> memref<1x128x128xf32, #tpu.memory_space<vmem_shared>>
    %dma_wait3A_577 = tpu.memref_squeeze %dma_wait3A_576 : memref<1x128x128xf32, #tpu.memory_space<vmem_shared>> -> memref<128x128xf32, #tpu.memory_space<vmem_shared>>
    tpu.wait_dma2 semaphore(%arg5 : memref<!tpu.dma_semaphore, #tpu.memory_space<semaphore_mem>>) src(%dma_wait3A_577 : memref<128x128xf32, #tpu.memory_space<vmem_shared>>) dst(%dma_wait3A_573 : memref<128x128xf32, #tpu.memory_space<hbm>>)
    %dma_wait3A_578 = arith.constant 12 : i32
    %dma_wait3A_579 = arith.constant 0 : i32
    %dma_wait3A_580 = tpu.memref_slice %arg2[%add3A_429, %dma_wait3A_579] : memref<8192x128xf32, #tpu.memory_space<hbm>> -> memref<128x128xf32, #tpu.memory_space<hbm>>
    %dma_wait3A_581 = arith.constant 0 : i32
    %dma_wait3A_582 = arith.constant 0 : i32
    %dma_wait3A_583 = tpu.memref_slice %arg3[%dma_wait3A_578, %dma_wait3A_581, %dma_wait3A_582] : memref<16x128x128xf32, #tpu.memory_space<vmem_shared>> -> memref<1x128x128xf32, #tpu.memory_space<vmem_shared>>
    %dma_wait3A_584 = tpu.memref_squeeze %dma_wait3A_583 : memref<1x128x128xf32, #tpu.memory_space<vmem_shared>> -> memref<128x128xf32, #tpu.memory_space<vmem_shared>>
    tpu.wait_dma2 semaphore(%arg5 : memref<!tpu.dma_semaphore, #tpu.memory_space<semaphore_mem>>) src(%dma_wait3A_584 : memref<128x128xf32, #tpu.memory_space<vmem_shared>>) dst(%dma_wait3A_580 : memref<128x128xf32, #tpu.memory_space<hbm>>)
    %dma_wait3A_585 = arith.constant 13 : i32
    %dma_wait3A_586 = arith.constant 0 : i32
    %dma_wait3A_587 = tpu.memref_slice %arg2[%add3A_448, %dma_wait3A_586] : memref<8192x128xf32, #tpu.memory_space<hbm>> -> memref<128x128xf32, #tpu.memory_space<hbm>>
    %dma_wait3A_588 = arith.constant 0 : i32
    %dma_wait3A_589 = arith.constant 0 : i32
    %dma_wait3A_590 = tpu.memref_slice %arg3[%dma_wait3A_585, %dma_wait3A_588, %dma_wait3A_589] : memref<16x128x128xf32, #tpu.memory_space<vmem_shared>> -> memref<1x128x128xf32, #tpu.memory_space<vmem_shared>>
    %dma_wait3A_591 = tpu.memref_squeeze %dma_wait3A_590 : memref<1x128x128xf32, #tpu.memory_space<vmem_shared>> -> memref<128x128xf32, #tpu.memory_space<vmem_shared>>
    tpu.wait_dma2 semaphore(%arg5 : memref<!tpu.dma_semaphore, #tpu.memory_space<semaphore_mem>>) src(%dma_wait3A_591 : memref<128x128xf32, #tpu.memory_space<vmem_shared>>) dst(%dma_wait3A_587 : memref<128x128xf32, #tpu.memory_space<hbm>>)
    %dma_wait3A_592 = arith.constant 14 : i32
    %dma_wait3A_593 = arith.constant 0 : i32
    %dma_wait3A_594 = tpu.memref_slice %arg2[%add3A_467, %dma_wait3A_593] : memref<8192x128xf32, #tpu.memory_space<hbm>> -> memref<128x128xf32, #tpu.memory_space<hbm>>
    %dma_wait3A_595 = arith.constant 0 : i32
    %dma_wait3A_596 = arith.constant 0 : i32
    %dma_wait3A_597 = tpu.memref_slice %arg3[%dma_wait3A_592, %dma_wait3A_595, %dma_wait3A_596] : memref<16x128x128xf32, #tpu.memory_space<vmem_shared>> -> memref<1x128x128xf32, #tpu.memory_space<vmem_shared>>
    %dma_wait3A_598 = tpu.memref_squeeze %dma_wait3A_597 : memref<1x128x128xf32, #tpu.memory_space<vmem_shared>> -> memref<128x128xf32, #tpu.memory_space<vmem_shared>>
    tpu.wait_dma2 semaphore(%arg5 : memref<!tpu.dma_semaphore, #tpu.memory_space<semaphore_mem>>) src(%dma_wait3A_598 : memref<128x128xf32, #tpu.memory_space<vmem_shared>>) dst(%dma_wait3A_594 : memref<128x128xf32, #tpu.memory_space<hbm>>)
    %dma_wait3A_599 = arith.constant 15 : i32
    %dma_wait3A_600 = arith.constant 0 : i32
    %dma_wait3A_601 = tpu.memref_slice %arg2[%add3A_486, %dma_wait3A_600] : memref<8192x128xf32, #tpu.memory_space<hbm>> -> memref<128x128xf32, #tpu.memory_space<hbm>>
    %dma_wait3A_602 = arith.constant 0 : i32
    %dma_wait3A_603 = arith.constant 0 : i32
    %dma_wait3A_604 = tpu.memref_slice %arg3[%dma_wait3A_599, %dma_wait3A_602, %dma_wait3A_603] : memref<16x128x128xf32, #tpu.memory_space<vmem_shared>> -> memref<1x128x128xf32, #tpu.memory_space<vmem_shared>>
    %dma_wait3A_605 = tpu.memref_squeeze %dma_wait3A_604 : memref<1x128x128xf32, #tpu.memory_space<vmem_shared>> -> memref<128x128xf32, #tpu.memory_space<vmem_shared>>
    tpu.wait_dma2 semaphore(%arg5 : memref<!tpu.dma_semaphore, #tpu.memory_space<semaphore_mem>>) src(%dma_wait3A_605 : memref<128x128xf32, #tpu.memory_space<vmem_shared>>) dst(%dma_wait3A_601 : memref<128x128xf32, #tpu.memory_space<hbm>>)
    return
  }
  func.func @tec_fn(%arg0: i32, %arg1: i32, %arg2: memref<8192x128xf32, #tpu.memory_space<hbm>>, %arg3: memref<8192x128xf32, #tpu.memory_space<hbm>>, %arg4: memref<16x128x128xf32, #tpu.memory_space<vmem_shared>>, %arg5: memref<16x!tpu.dma_semaphore, #tpu.memory_space<semaphore_mem, sc_scalar_subcore>>, %arg6: memref<!tpu.dma_semaphore, #tpu.memory_space<semaphore_mem, sc_scalar_subcore>>, %arg7: memref<2x64x128xf32, #tpu.memory_space<vmem>>, %arg8: memref<2x!tpu.dma_semaphore, #tpu.memory_space<semaphore_mem>>, %arg9: memref<!tpu.dma_semaphore, #tpu.memory_space<semaphore_mem>>) attributes {dimension_semantics = [#tpu.dimension_semantics<core_parallel>, #tpu.dimension_semantics<subcore_parallel>], iteration_bounds = array<i64: 2, 16>, scalar_prefetch = 0 : i64, scratch_operands = 6 : i64, tpu.core_type = #tpu.core_type<sc_vector_subcore>, window_params = [{transform_indices = #map1}, {transform_indices = #map1}]} {
    %mul3A = arith.constant 2 : i32
    %mul3A_0 = arith.muli %arg1, %mul3A : i32
    %add3A = arith.addi %mul3A_0, %arg0 : i32
    %mul3A_1 = arith.constant 128 : i32
    %mul3A_2 = arith.muli %add3A, %mul3A_1 : i32
    %add3A_3 = arith.constant 4096 : i32
    %add3A_4 = arith.addi %add3A_3, %mul3A_2 : i32
    %add3A_5 = arith.constant 0 : i32
    %add3A_6 = arith.addi %add3A_4, %add3A_5 : i32
    %dma_start3A = arith.constant 0 : i32
    %dma_start3A_7 = arith.constant 0 : i32
    %dma_start3A_8 = arith.constant 0 : i32
    %dma_start3A_9 = arith.constant 0 : i32
    %dma_start3A_10 = tpu.memref_slice %arg7[%dma_start3A, %dma_start3A_8, %dma_start3A_9] : memref<2x64x128xf32, #tpu.memory_space<vmem>> -> memref<1x64x128xf32, #tpu.memory_space<vmem>>
    %dma_start3A_11 = tpu.memref_squeeze %dma_start3A_10 : memref<1x64x128xf32, #tpu.memory_space<vmem>> -> memref<64x128xf32, #tpu.memory_space<vmem>>
    %dma_start3A_12 = arith.constant 0 : i32
    %dma_start3A_13 = tpu.memref_slice %arg2[%add3A_6, %dma_start3A_12] : memref<8192x128xf32, #tpu.memory_space<hbm>> -> memref<64x128xf32, #tpu.memory_space<hbm>>
    %dma_start3A_14 = tpu.memref_slice %arg8[%dma_start3A_7] : memref<2x!tpu.dma_semaphore, #tpu.memory_space<semaphore_mem>> -> memref<1x!tpu.dma_semaphore, #tpu.memory_space<semaphore_mem>>
    %dma_start3A_15 = tpu.memref_squeeze %dma_start3A_14 : memref<1x!tpu.dma_semaphore, #tpu.memory_space<semaphore_mem>> -> memref<!tpu.dma_semaphore, #tpu.memory_space<semaphore_mem>>
    %dma_start3A_16 = arith.constant 0 : i32
    %dma_start3A_17 = arith.constant 0 : i32
    %dma_start3A_18 = tpu.memref_slice %arg7[%dma_start3A, %dma_start3A_16, %dma_start3A_17] : memref<2x64x128xf32, #tpu.memory_space<vmem>> -> memref<1x64x128xf32, #tpu.memory_space<vmem>>
    %dma_start3A_19 = tpu.memref_squeeze %dma_start3A_18 : memref<1x64x128xf32, #tpu.memory_space<vmem>> -> memref<64x128xf32, #tpu.memory_space<vmem>>
    %dma_start3A_20 = arith.constant 0 : i32
    %dma_start3A_21 = tpu.memref_slice %arg2[%add3A_6, %dma_start3A_20] : memref<8192x128xf32, #tpu.memory_space<hbm>> -> memref<64x128xf32, #tpu.memory_space<hbm>>
    tpu.enqueue_dma source(%dma_start3A_21 : memref<64x128xf32, #tpu.memory_space<hbm>>) target(%dma_start3A_19 : memref<64x128xf32, #tpu.memory_space<vmem>>) target_semaphore(%dma_start3A_15 : memref<!tpu.dma_semaphore, #tpu.memory_space<semaphore_mem>>)
    %add3A_22 = arith.constant 64 : i32
    %add3A_23 = arith.addi %add3A_4, %add3A_22 : i32
    %dma_start3A_24 = arith.constant 1 : i32
    %dma_start3A_25 = arith.constant 1 : i32
    %dma_start3A_26 = arith.constant 0 : i32
    %dma_start3A_27 = arith.constant 0 : i32
    %dma_start3A_28 = tpu.memref_slice %arg7[%dma_start3A_24, %dma_start3A_26, %dma_start3A_27] : memref<2x64x128xf32, #tpu.memory_space<vmem>> -> memref<1x64x128xf32, #tpu.memory_space<vmem>>
    %dma_start3A_29 = tpu.memref_squeeze %dma_start3A_28 : memref<1x64x128xf32, #tpu.memory_space<vmem>> -> memref<64x128xf32, #tpu.memory_space<vmem>>
    %dma_start3A_30 = arith.constant 0 : i32
    %dma_start3A_31 = tpu.memref_slice %arg2[%add3A_23, %dma_start3A_30] : memref<8192x128xf32, #tpu.memory_space<hbm>> -> memref<64x128xf32, #tpu.memory_space<hbm>>
    %dma_start3A_32 = tpu.memref_slice %arg8[%dma_start3A_25] : memref<2x!tpu.dma_semaphore, #tpu.memory_space<semaphore_mem>> -> memref<1x!tpu.dma_semaphore, #tpu.memory_space<semaphore_mem>>
    %dma_start3A_33 = tpu.memref_squeeze %dma_start3A_32 : memref<1x!tpu.dma_semaphore, #tpu.memory_space<semaphore_mem>> -> memref<!tpu.dma_semaphore, #tpu.memory_space<semaphore_mem>>
    %dma_start3A_34 = arith.constant 0 : i32
    %dma_start3A_35 = arith.constant 0 : i32
    %dma_start3A_36 = tpu.memref_slice %arg7[%dma_start3A_24, %dma_start3A_34, %dma_start3A_35] : memref<2x64x128xf32, #tpu.memory_space<vmem>> -> memref<1x64x128xf32, #tpu.memory_space<vmem>>
    %dma_start3A_37 = tpu.memref_squeeze %dma_start3A_36 : memref<1x64x128xf32, #tpu.memory_space<vmem>> -> memref<64x128xf32, #tpu.memory_space<vmem>>
    %dma_start3A_38 = arith.constant 0 : i32
    %dma_start3A_39 = tpu.memref_slice %arg2[%add3A_23, %dma_start3A_38] : memref<8192x128xf32, #tpu.memory_space<hbm>> -> memref<64x128xf32, #tpu.memory_space<hbm>>
    tpu.enqueue_dma source(%dma_start3A_39 : memref<64x128xf32, #tpu.memory_space<hbm>>) target(%dma_start3A_37 : memref<64x128xf32, #tpu.memory_space<vmem>>) target_semaphore(%dma_start3A_33 : memref<!tpu.dma_semaphore, #tpu.memory_space<semaphore_mem>>)
    %dma_wait3A = arith.constant 0 : i32
    %dma_wait3A_40 = arith.constant 0 : i32
    %dma_wait3A_41 = arith.constant 0 : i32
    %dma_wait3A_42 = arith.constant 0 : i32
    %dma_wait3A_43 = tpu.memref_slice %arg7[%dma_wait3A, %dma_wait3A_41, %dma_wait3A_42] : memref<2x64x128xf32, #tpu.memory_space<vmem>> -> memref<1x64x128xf32, #tpu.memory_space<vmem>>
    %dma_wait3A_44 = tpu.memref_squeeze %dma_wait3A_43 : memref<1x64x128xf32, #tpu.memory_space<vmem>> -> memref<64x128xf32, #tpu.memory_space<vmem>>
    %dma_wait3A_45 = arith.constant 0 : i32
    %dma_wait3A_46 = tpu.memref_slice %arg2[%add3A_6, %dma_wait3A_45] : memref<8192x128xf32, #tpu.memory_space<hbm>> -> memref<64x128xf32, #tpu.memory_space<hbm>>
    %dma_wait3A_47 = tpu.memref_slice %arg8[%dma_wait3A_40] : memref<2x!tpu.dma_semaphore, #tpu.memory_space<semaphore_mem>> -> memref<1x!tpu.dma_semaphore, #tpu.memory_space<semaphore_mem>>
    %dma_wait3A_48 = tpu.memref_squeeze %dma_wait3A_47 : memref<1x!tpu.dma_semaphore, #tpu.memory_space<semaphore_mem>> -> memref<!tpu.dma_semaphore, #tpu.memory_space<semaphore_mem>>
    %dma_wait3A_49 = arith.constant 0 : i32
    %dma_wait3A_50 = arith.constant 0 : i32
    %dma_wait3A_51 = tpu.memref_slice %arg7[%dma_wait3A, %dma_wait3A_49, %dma_wait3A_50] : memref<2x64x128xf32, #tpu.memory_space<vmem>> -> memref<1x64x128xf32, #tpu.memory_space<vmem>>
    %dma_wait3A_52 = tpu.memref_squeeze %dma_wait3A_51 : memref<1x64x128xf32, #tpu.memory_space<vmem>> -> memref<64x128xf32, #tpu.memory_space<vmem>>
    %dma_wait3A_53 = arith.constant 0 : i32
    %dma_wait3A_54 = tpu.memref_slice %arg2[%add3A_6, %dma_wait3A_53] : memref<8192x128xf32, #tpu.memory_space<hbm>> -> memref<64x128xf32, #tpu.memory_space<hbm>>
    tpu.wait_dma2 semaphore(%dma_wait3A_48 : memref<!tpu.dma_semaphore, #tpu.memory_space<semaphore_mem>>) src(%dma_wait3A_54 : memref<64x128xf32, #tpu.memory_space<hbm>>) dst(%dma_wait3A_52 : memref<64x128xf32, #tpu.memory_space<vmem>>)
    %add3A_55 = arith.constant 0 : i32
    %add3A_56 = arith.addi %add3A_4, %add3A_55 : i32
    %dma_start3A_57 = arith.constant 0 : i32
    %dma_start3A_58 = arith.constant 0 : i32
    %dma_start3A_59 = arith.constant 0 : i32
    %dma_start3A_60 = tpu.memref_slice %arg7[%dma_start3A_57, %dma_start3A_58, %dma_start3A_59] : memref<2x64x128xf32, #tpu.memory_space<vmem>> -> memref<1x64x128xf32, #tpu.memory_space<vmem>>
    %dma_start3A_61 = tpu.memref_squeeze %dma_start3A_60 : memref<1x64x128xf32, #tpu.memory_space<vmem>> -> memref<64x128xf32, #tpu.memory_space<vmem>>
    %dma_start3A_62 = arith.constant 0 : i32
    %dma_start3A_63 = tpu.memref_slice %arg3[%add3A_56, %dma_start3A_62] : memref<8192x128xf32, #tpu.memory_space<hbm>> -> memref<64x128xf32, #tpu.memory_space<hbm>>
    %dma_start3A_64 = arith.constant 0 : i32
    %dma_start3A_65 = tpu.memref_slice %arg3[%add3A_56, %dma_start3A_64] : memref<8192x128xf32, #tpu.memory_space<hbm>> -> memref<64x128xf32, #tpu.memory_space<hbm>>
    %dma_start3A_66 = arith.constant 0 : i32
    %dma_start3A_67 = arith.constant 0 : i32
    %dma_start3A_68 = tpu.memref_slice %arg7[%dma_start3A_57, %dma_start3A_66, %dma_start3A_67] : memref<2x64x128xf32, #tpu.memory_space<vmem>> -> memref<1x64x128xf32, #tpu.memory_space<vmem>>
    %dma_start3A_69 = tpu.memref_squeeze %dma_start3A_68 : memref<1x64x128xf32, #tpu.memory_space<vmem>> -> memref<64x128xf32, #tpu.memory_space<vmem>>
    tpu.enqueue_dma source(%dma_start3A_69 : memref<64x128xf32, #tpu.memory_space<vmem>>) target(%dma_start3A_65 : memref<64x128xf32, #tpu.memory_space<hbm>>) target_semaphore(%arg9 : memref<!tpu.dma_semaphore, #tpu.memory_space<semaphore_mem>>)
    %dma_wait3A_70 = arith.constant 1 : i32
    %dma_wait3A_71 = arith.constant 1 : i32
    %dma_wait3A_72 = arith.constant 0 : i32
    %dma_wait3A_73 = arith.constant 0 : i32
    %dma_wait3A_74 = tpu.memref_slice %arg7[%dma_wait3A_70, %dma_wait3A_72, %dma_wait3A_73] : memref<2x64x128xf32, #tpu.memory_space<vmem>> -> memref<1x64x128xf32, #tpu.memory_space<vmem>>
    %dma_wait3A_75 = tpu.memref_squeeze %dma_wait3A_74 : memref<1x64x128xf32, #tpu.memory_space<vmem>> -> memref<64x128xf32, #tpu.memory_space<vmem>>
    %dma_wait3A_76 = arith.constant 0 : i32
    %dma_wait3A_77 = tpu.memref_slice %arg2[%add3A_23, %dma_wait3A_76] : memref<8192x128xf32, #tpu.memory_space<hbm>> -> memref<64x128xf32, #tpu.memory_space<hbm>>
    %dma_wait3A_78 = tpu.memref_slice %arg8[%dma_wait3A_71] : memref<2x!tpu.dma_semaphore, #tpu.memory_space<semaphore_mem>> -> memref<1x!tpu.dma_semaphore, #tpu.memory_space<semaphore_mem>>
    %dma_wait3A_79 = tpu.memref_squeeze %dma_wait3A_78 : memref<1x!tpu.dma_semaphore, #tpu.memory_space<semaphore_mem>> -> memref<!tpu.dma_semaphore, #tpu.memory_space<semaphore_mem>>
    %dma_wait3A_80 = arith.constant 0 : i32
    %dma_wait3A_81 = arith.constant 0 : i32
    %dma_wait3A_82 = tpu.memref_slice %arg7[%dma_wait3A_70, %dma_wait3A_80, %dma_wait3A_81] : memref<2x64x128xf32, #tpu.memory_space<vmem>> -> memref<1x64x128xf32, #tpu.memory_space<vmem>>
    %dma_wait3A_83 = tpu.memref_squeeze %dma_wait3A_82 : memref<1x64x128xf32, #tpu.memory_space<vmem>> -> memref<64x128xf32, #tpu.memory_space<vmem>>
    %dma_wait3A_84 = arith.constant 0 : i32
    %dma_wait3A_85 = tpu.memref_slice %arg2[%add3A_23, %dma_wait3A_84] : memref<8192x128xf32, #tpu.memory_space<hbm>> -> memref<64x128xf32, #tpu.memory_space<hbm>>
    tpu.wait_dma2 semaphore(%dma_wait3A_79 : memref<!tpu.dma_semaphore, #tpu.memory_space<semaphore_mem>>) src(%dma_wait3A_85 : memref<64x128xf32, #tpu.memory_space<hbm>>) dst(%dma_wait3A_83 : memref<64x128xf32, #tpu.memory_space<vmem>>)
    %add3A_86 = arith.constant 64 : i32
    %add3A_87 = arith.addi %add3A_4, %add3A_86 : i32
    %dma_start3A_88 = arith.constant 1 : i32
    %dma_start3A_89 = arith.constant 0 : i32
    %dma_start3A_90 = arith.constant 0 : i32
    %dma_start3A_91 = tpu.memref_slice %arg7[%dma_start3A_88, %dma_start3A_89, %dma_start3A_90] : memref<2x64x128xf32, #tpu.memory_space<vmem>> -> memref<1x64x128xf32, #tpu.memory_space<vmem>>
    %dma_start3A_92 = tpu.memref_squeeze %dma_start3A_91 : memref<1x64x128xf32, #tpu.memory_space<vmem>> -> memref<64x128xf32, #tpu.memory_space<vmem>>
    %dma_start3A_93 = arith.constant 0 : i32
    %dma_start3A_94 = tpu.memref_slice %arg3[%add3A_87, %dma_start3A_93] : memref<8192x128xf32, #tpu.memory_space<hbm>> -> memref<64x128xf32, #tpu.memory_space<hbm>>
    %dma_start3A_95 = arith.constant 0 : i32
    %dma_start3A_96 = tpu.memref_slice %arg3[%add3A_87, %dma_start3A_95] : memref<8192x128xf32, #tpu.memory_space<hbm>> -> memref<64x128xf32, #tpu.memory_space<hbm>>
    %dma_start3A_97 = arith.constant 0 : i32
    %dma_start3A_98 = arith.constant 0 : i32
    %dma_start3A_99 = tpu.memref_slice %arg7[%dma_start3A_88, %dma_start3A_97, %dma_start3A_98] : memref<2x64x128xf32, #tpu.memory_space<vmem>> -> memref<1x64x128xf32, #tpu.memory_space<vmem>>
    %dma_start3A_100 = tpu.memref_squeeze %dma_start3A_99 : memref<1x64x128xf32, #tpu.memory_space<vmem>> -> memref<64x128xf32, #tpu.memory_space<vmem>>
    tpu.enqueue_dma source(%dma_start3A_100 : memref<64x128xf32, #tpu.memory_space<vmem>>) target(%dma_start3A_96 : memref<64x128xf32, #tpu.memory_space<hbm>>) target_semaphore(%arg9 : memref<!tpu.dma_semaphore, #tpu.memory_space<semaphore_mem>>)
    %dma_wait3A_101 = arith.constant 0 : i32
    %dma_wait3A_102 = arith.constant 0 : i32
    %dma_wait3A_103 = arith.constant 0 : i32
    %dma_wait3A_104 = tpu.memref_slice %arg7[%dma_wait3A_101, %dma_wait3A_102, %dma_wait3A_103] : memref<2x64x128xf32, #tpu.memory_space<vmem>> -> memref<1x64x128xf32, #tpu.memory_space<vmem>>
    %dma_wait3A_105 = tpu.memref_squeeze %dma_wait3A_104 : memref<1x64x128xf32, #tpu.memory_space<vmem>> -> memref<64x128xf32, #tpu.memory_space<vmem>>
    %dma_wait3A_106 = arith.constant 0 : i32
    %dma_wait3A_107 = tpu.memref_slice %arg3[%add3A_56, %dma_wait3A_106] : memref<8192x128xf32, #tpu.memory_space<hbm>> -> memref<64x128xf32, #tpu.memory_space<hbm>>
    %dma_wait3A_108 = arith.constant 0 : i32
    %dma_wait3A_109 = tpu.memref_slice %arg3[%add3A_56, %dma_wait3A_108] : memref<8192x128xf32, #tpu.memory_space<hbm>> -> memref<64x128xf32, #tpu.memory_space<hbm>>
    %dma_wait3A_110 = arith.constant 0 : i32
    %dma_wait3A_111 = arith.constant 0 : i32
    %dma_wait3A_112 = tpu.memref_slice %arg7[%dma_wait3A_101, %dma_wait3A_110, %dma_wait3A_111] : memref<2x64x128xf32, #tpu.memory_space<vmem>> -> memref<1x64x128xf32, #tpu.memory_space<vmem>>
    %dma_wait3A_113 = tpu.memref_squeeze %dma_wait3A_112 : memref<1x64x128xf32, #tpu.memory_space<vmem>> -> memref<64x128xf32, #tpu.memory_space<vmem>>
    tpu.wait_dma2 semaphore(%arg9 : memref<!tpu.dma_semaphore, #tpu.memory_space<semaphore_mem>>) src(%dma_wait3A_113 : memref<64x128xf32, #tpu.memory_space<vmem>>) dst(%dma_wait3A_109 : memref<64x128xf32, #tpu.memory_space<hbm>>)
    %dma_wait3A_114 = arith.constant 1 : i32
    %dma_wait3A_115 = arith.constant 0 : i32
    %dma_wait3A_116 = arith.constant 0 : i32
    %dma_wait3A_117 = tpu.memref_slice %arg7[%dma_wait3A_114, %dma_wait3A_115, %dma_wait3A_116] : memref<2x64x128xf32, #tpu.memory_space<vmem>> -> memref<1x64x128xf32, #tpu.memory_space<vmem>>
    %dma_wait3A_118 = tpu.memref_squeeze %dma_wait3A_117 : memref<1x64x128xf32, #tpu.memory_space<vmem>> -> memref<64x128xf32, #tpu.memory_space<vmem>>
    %dma_wait3A_119 = arith.constant 0 : i32
    %dma_wait3A_120 = tpu.memref_slice %arg3[%add3A_87, %dma_wait3A_119] : memref<8192x128xf32, #tpu.memory_space<hbm>> -> memref<64x128xf32, #tpu.memory_space<hbm>>
    %dma_wait3A_121 = arith.constant 0 : i32
    %dma_wait3A_122 = tpu.memref_slice %arg3[%add3A_87, %dma_wait3A_121] : memref<8192x128xf32, #tpu.memory_space<hbm>> -> memref<64x128xf32, #tpu.memory_space<hbm>>
    %dma_wait3A_123 = arith.constant 0 : i32
    %dma_wait3A_124 = arith.constant 0 : i32
    %dma_wait3A_125 = tpu.memref_slice %arg7[%dma_wait3A_114, %dma_wait3A_123, %dma_wait3A_124] : memref<2x64x128xf32, #tpu.memory_space<vmem>> -> memref<1x64x128xf32, #tpu.memory_space<vmem>>
    %dma_wait3A_126 = tpu.memref_squeeze %dma_wait3A_125 : memref<1x64x128xf32, #tpu.memory_space<vmem>> -> memref<64x128xf32, #tpu.memory_space<vmem>>
    tpu.wait_dma2 semaphore(%arg9 : memref<!tpu.dma_semaphore, #tpu.memory_space<semaphore_mem>>) src(%dma_wait3A_126 : memref<64x128xf32, #tpu.memory_space<vmem>>) dst(%dma_wait3A_122 : memref<64x128xf32, #tpu.memory_space<hbm>>)
    return
  }
}

</mosaic_0001>

<sc_bundles>
// kernel: kernel.3.cloned.1.call-start
scs
__scs_entry_jumppad:
0x0: {  	(pc) =	sbr.rel $0x88, $3  }
0x1: {  	(tag) =	ssettag $0x0;
	lr =	simm.s32 $0x1  }
0x2: {  	[smem:$0x3FA0] =	sst lr;
	_ =	strace $0xD0000000  }
0x3: {  	_ = 	snop  }
0x4: {  	_ = 	snop  }
0x5: {  	_ = 	snop  }
0x6: {  	_ = 	snop  }
0x7: {  	_ = 	snop  }
__scs_overlays_trampoline_lowered:
0x8: {  	[smem:$0x3FAF] =	sst s0  }
0x9: {  	[smem:$0x3FB0] =	sst s1  }
0xa: {  	[smem:$0x3FB1] =	sst s2  }
0xb: {  	[smem:$0x3FB2] =	sst s3  }
0xc: {  	[smem:$0x3FB3] =	sst s4  }
0xd: {  	[smem:$0x3FB4] =	sst s5  }
0xe: {  	[smem:$0x3FB5] =	sst s6  }
0xf: {  	[smem:$0x3FB6] =	sst s7  }
0x10: {  	[smem:$0x3FB7] =	sst s8  }
0x11: {  	[smem:$0x3FB8] =	sst s9;
	s0 =	simm.s32 @!p0 $0x0  }
0x12: {  	s1 =	sld [smem:$0x3F9E];
	s0 =	simm.s32 @p0 $0x1  }
0x13: {  	[smem:$0x3FB9] =	sst s0;
	s0 =	simm.s32 @!p1 $0x0  }
0x14: {  	s2 =	sld [smem:$0x3F9D];
	s0 =	simm.s32 @p1 $0x1  }
0x15: {  	[smem:$0x3FBA] =	sst s0;
	s0 =	simm.s32 @!p2 $0x0  }
0x16: {  	s3 =	sld [smem:$0x3FDB];
	s0 =	simm.s32 @p2 $0x1  }
0x17: {  	s4 =	simm.s32 $0x1BF5;
	[smem:$0x3FBC] =	sst s0  }
0x18: {  	s0 =	sld [smem:$0x3F9F];
	_ =	swait.ge [sflag:s4], $0x0  }
0x19: {  	s7 =	sld [smem:$0x3FA0]  }
0x1a: {  	s8 =	sadd.s32 $0xFFFFE003, lr  }
0x1b: {  	s9 =	sadd.s32 $0xFFFFFEF7, lr;
	s5 =	simm.s32 $0xFFFFFFFF;
	p2 =	slt.u32 s8, $0xFFFFF086  }
0x1c: {  	p1 =	slt.u32 s9, $0xF7A;
	s5 =	simm.s32 @!p2 $0x0  }
0x1d: {  	s5 =	simm.s32 @p1 $0x1;
	p0 =	seq.s32 s7, s2  }
0x1e: {  	s7 =	smul.u32 @!p0 $0xF7A, s2;
	p2 =	seq.s32 @!p0 s5, $0x0  }
0x1f: {  	s9 =	smul.u32 $0xF7A, s1;
	s8 =	simm.s32 @!p0 $0x1BF5;
	p2 =	por !p2, p0  }
0x20: {  	[sflag:s8] =	ssyncset.s32 @!p0 $0xFFFFF086;
	s6 =	sadd.s32 @!p0 s3, s7;
	s7 =	simm.s32 @!p0 $0x108  }
0x21: {  	s3 =	sadd.s32 s3, s9;
	s6 =	sadd.s32 @!p0 $0x88, s6;
	s7 =	simm.s32 @p2 $0x1082  }
0x22: {  	[simem:s7], [sflag:s8] =	dma.local @!p0 [hbm:s6], $0xF7A  }
0x23: {  	s9 =	sor.u32 $0xD0000000, s2;
	s6 =	simm.s32 $0x108;
	_ =	swait.ge @!p0 [sflag:s8], $0x0  }
0x24: {  	s3 =	sadd.s32 $0x88, s3;
	s6 =	simm.s32 @!p1 $0x1082;
	[sflag:s4] =	ssyncset.s32 $0xFFFFF086  }
0x25: {  	[simem:s6], [sflag:s4] =	dma.local [hbm:s3], $0xF7A  }
0x26: {  	[smem:$0x3FA0] =	sst s1;
	(tag) =	ssettag s2;
	_ =	strace s9  }
0x27: {  	s1 =	sld [smem:$0x3FB0]  }
0x28: {  	s2 =	sld [smem:$0x3FB1]  }
0x29: {  	s4 =	sld [smem:$0x3FB3]  }
0x2a: {  	p0 =	seq.s32 s5, $0x0;
	s5 =	sld [smem:$0x3FB4]  }
0x2b: {  	s6 =	sld [smem:$0x3FB5]  }
0x2c: {  	s7 =	sld [smem:$0x3FB6]  }
0x2d: {  	s3 =	simm.s32 $0x108;
	s8 =	sld [smem:$0x3FB7]  }
0x2e: {  	s3 =	simm.s32 @!p0 $0x1082;
	s9 =	sld [smem:$0x3FB8]  }
0x2f: {  	lr =	sadd.s32 s0, s3;
	s0 =	sld [smem:$0x3FAF]  }
0x30: {  	s3 =	sld [smem:$0x3FB2]  }
0x31: {  	[smem:$0x3FBB] =	sst s10  }
0x32: {  	s10 =	sld [smem:$0x3FB9];
	_ =	sdelay $0x3  }
0x33: {  	p0 =	seq.s32 s10, $0x1;
	s10 =	sld [smem:$0x3FBB];
	_ =	sdelay $0x3  }
0x34: {  	[smem:$0x3FBB] =	sst s10  }
0x35: {  	s10 =	sld [smem:$0x3FBA];
	_ =	sdelay $0x3  }
0x36: {  	p1 =	seq.s32 s10, $0x1;
	s10 =	sld [smem:$0x3FBB];
	_ =	sdelay $0x3  }
0x37: {  	[smem:$0x3FBB] =	sst s10  }
0x38: {  	s10 =	sld [smem:$0x3FBC]  }
0x39: {  	_ = 	snop;
	(pc) =	sbr.ind lr, $3  }
0x3a: {  	_ = 	snop  }
0x3b: {  	_ = 	snop  }
0x3c: {  	p2 =	seq.s32 s10, $0x1;
	s10 =	sld [smem:$0x3FBB]  }
0x3d: {  	_ =	shalt  }
0x3e: {  	_ =	shalt  }
0x3f: {  	_ =	shalt  }
0x40: {  	_ =	shalt  }
0x41: {  	_ =	shalt  }
0x42: {  	_ =	shalt  }
0x43: {  	_ =	shalt  }
0x44: {  	_ =	shalt  }
0x45: {  	_ =	shalt  }
0x46: {  	_ =	shalt  }
0x47: {  	_ =	shalt  }
0x48: {  	_ =	shalt  }
0x49: {  	_ =	shalt  }
0x4a: {  	_ =	shalt  }
0x4b: {  	_ =	shalt  }
0x4c: {  	_ =	shalt  }
0x4d: {  	_ =	shalt  }
0x4e: {  	_ =	shalt  }
0x4f: {  	_ =	shalt  }
0x50: {  	_ =	shalt  }
0x51: {  	_ =	shalt  }
0x52: {  	_ =	shalt  }
0x53: {  	_ =	shalt  }
0x54: {  	_ =	shalt  }
0x55: {  	_ =	shalt  }
0x56: {  	_ =	shalt  }
0x57: {  	_ =	shalt  }
0x58: {  	_ =	shalt  }
0x59: {  	_ =	shalt  }
0x5a: {  	_ =	shalt  }
0x5b: {  	_ =	shalt  }
0x5c: {  	_ =	shalt  }
0x5d: {  	_ =	shalt  }
0x5e: {  	_ =	shalt  }
0x5f: {  	_ =	shalt  }
0x60: {  	_ =	shalt  }
0x61: {  	_ =	shalt  }
0x62: {  	_ =	shalt  }
0x63: {  	_ =	shalt  }
0x64: {  	_ =	shalt  }
0x65: {  	_ =	shalt  }
0x66: {  	_ =	shalt  }
0x67: {  	_ =	shalt  }
0x68: {  	_ =	shalt  }
0x69: {  	_ =	shalt  }
0x6a: {  	_ =	shalt  }
0x6b: {  	_ =	shalt  }
0x6c: {  	_ =	shalt  }
0x6d: {  	_ =	shalt  }
0x6e: {  	_ =	shalt  }
0x6f: {  	_ =	shalt  }
0x70: {  	_ =	shalt  }
0x71: {  	_ =	shalt  }
0x72: {  	_ =	shalt  }
0x73: {  	_ =	shalt  }
0x74: {  	_ =	shalt  }
0x75: {  	_ =	shalt  }
0x76: {  	_ =	shalt  }
0x77: {  	_ =	shalt  }
0x78: {  	_ =	shalt  }
0x79: {  	_ =	shalt  }
0x7a: {  	_ =	shalt  }
0x7b: {  	_ =	shalt  }
0x7c: {  	_ =	shalt  }
0x7d: {  	_ =	shalt  }
0x7e: {  	_ =	shalt  }
0x7f: {  	_ =	shalt  }
0x80: {  	_ =	shalt  }
0x81: {  	_ =	shalt  }
0x82: {  	_ =	shalt  }
0x83: {  	_ =	shalt  }
0x84: {  	_ =	shalt  }
0x85: {  	_ =	shalt  }
0x86: {  	_ =	shalt  }
0x87: {  	_ =	shalt  }
.Lfunc_end0:
.L_simem_size_0:
called_computation_lowered:
.L_overlay_start_0:
0x88: {  	s0 =	sld [smem:$0x3FD9]  }
0x89: {  	s1 =	sld [smem:$0x3FFE];
	_ =	sdelay $0x1  }
0x8a: {  	s2 =	srdreg.scid  }
0x8b: {  	s7 =	sand.u32 $0x1, s2  }
0x8c: {  	s26 =	sshll.u32 s7, $0xA;
	s0 =	sadd.s32 s1, s0  }
0x8d: {  	[dreg:$0x5] =	wrdreg s7;
	s0 =	sadd.s32 s0, s26  }
0x8e: {  	s6 =	simm.s32 $0x0;
	[smem:$0x3FC7] =	sst s0  }
0x8f: {  	[smem:$0xF] =	sst s6  }
0x90: {  	s4 =	sld [smem:$0x3FC9]  }
0x91: {  	s3 =	sld [smem:$0x3FD0];
	(tm) =	ssettm $0x1  }
0x92: {  	s28 =	sld [smem:$0x3FFB];
	_ =	sdelay $0x3  }
0x93: {  	_ =	strace s28  }
0x94: {  	s0 =	sld [smem:$0x3FFC];
	_ =	sdelay $0x3  }
0x95: {  	_ =	strace s0  }
0x96: {  	s0 =	sld [smem:$0x3FFD];
	_ =	sdelay $0x3  }
0x97: {  	_ =	strace s0  }
0x98: {  	_ =	strace $0x8FFFFFFF  }
0x99: {  	s29 =	sld [smem:$0x3FDB];
	_ =	sdelay $0x2  }
0x9a: {  	s30 =	simm.s32 $_scs_section_size;
	s31 =	simm.s32 $_tile_overlayer_lowered  }
0x9b: {  	s5 =	simm.s32 $_size__tile_overlayer_lowered;
	s2 =	sshll.u32 s31, $0x1;
	s0 =	sadd.s32 s30, s29  }
0x9c: {  	s1 =	sshll.u32 s5, $0x1;
	s5 =	simm.s32 $0x1BFF;
	s2 =	sadd.s32 s2, s0  }
0x9d: {  	[timem:s6], [sflag:s5] =	dma.local [hbm:s2], s1  }
0x9e: {  	_ =	swait.ge [sflag:s5], s1  }
0x9f: {  	s1 =	ssub.s32 $0x0, s1;
	[sflag:s5] =	ssyncset.done $0x0  }
0xa0: {  	[sflag:s5] =	ssyncadd.s32 s1;
	_ =	sdelay $0x1  }
0xa1: {  	s8 =	simm.s32 $0x1B8B  }
0xa2: {  	_ =	swait.ge [sflag:s8], $0x1  }
0xa3: {  	[sflag:s8] =	ssyncset.done $0x0  }
0xa4: {  	s9 =	simm.s32 $0x1B8E;
	[sflag:s8] =	ssyncadd.s32 $0xFFFFFFFF  }
0xa5: {  	s10 =	simm.s32 $execute0_lowered;
	[smem:$0x3FD2] =	sst s9  }
0xa6: {  	s1 =	sshll.u32 s10, $0x1;
	_ =	strace $0x80000046;
	[dreg:$0x1] =	wrdreg $0xFFFFFFFF  }
0xa7: {  	s11 =	simm.s32 $_size_execute0_lowered;
	s0 =	sadd.s32 s0, s1;
	[dreg:$0x0] =	wrdreg $0x0  }
0xa8: {  	s1 =	sshll.u32 s11, $0x1;
	[dreg:$0x2] =	wrdreg s0  }
0xa9: {  	s12 =	simm.s32 $0x0;
	s21 =	simm.s32 $0xA;
	[dreg:$0x3] =	wrdreg s1  }
0xaa: {  	s15 =	simm.s32 $0xB;
	s16 =	simm.s32 $0x800;
	[dreg:$0x4] =	wrdreg $0xC0  }
0xab: {  	s18 =	simm.s32 $0xC;
	s19 =	simm.s32 $0x1000;
	_ =	task [dreg:s12], $0x5FFFF  }
0xac: {  	s23 =	simm.s32 $0xE;
	s20 =	sshll.u32 s7, $0xF;
	[dreg:$0x1] =	wrdreg $0xFFFFFFFF  }
0xad: {  	s7 =	sor.u32 $0x1800, s20;
	s13 =	sadd.s32 s20, s4;
	[dreg:$0x0] =	wrdreg $0x60  }
0xae: {  	s6 =	sor.u32 $0x1000, s20;
	s2 =	simm.s32 $0xD;
	[dreg:$0x2] =	wrdreg s4  }
0xaf: {  	s17 =	sadd.s32 s6, s4;
	s5 =	sor.u32 $0x800, s20;
	[dreg:$0x3] =	wrdreg s3  }
0xb0: {  	s10 =	simm.s32 $0x2000;
	s14 =	sadd.s32 s5, s4;
	[dreg:$0x4] =	wrdreg $0x9  }
0xb1: {  	s11 =	simm.s32 $0x2800;
	s8 =	sadd.s32 s7, s4;
	_ =	task.clear_ibuf [dreg:s12], $0x5FFFF  }
0xb2: {  	[spmem:s12], [sflag:s21] =	dma.local [hbm:s13], $0x800  }
0xb3: {  	s9 =	simm.s32 $0x1800;
	s12 =	simm.s32 $0x3000;
	s13 =	simm.s32 $0x3800  }
0xb4: {  	[spmem:s16], [sflag:s15] =	dma.local [hbm:s14], $0x800  }
0xb5: {  	s14 =	simm.s32 $0x4000;
	s15 =	simm.s32 $0x4800;
	s16 =	simm.s32 $0x5000  }
0xb6: {  	[spmem:s19], [sflag:s18] =	dma.local [hbm:s17], $0x800  }
0xb7: {  	[spmem:s9], [sflag:s2] =	dma.local [hbm:s8], $0x800  }
0xb8: {  	s17 =	simm.s32 $0x5800;
	s18 =	simm.s32 $0x6000;
	s8 =	sor.u32 $0x2000, s20  }
0xb9: {  	s19 =	simm.s32 $0x6800;
	s9 =	sor.u32 $0x2800, s20;
	s22 =	sadd.s32 s8, s4  }
0xba: {  	[spmem:s10], [sflag:s23] =	dma.local [hbm:s22], $0x800  }
0xbb: {  	s24 =	sadd.s32 s9, s4;
	s22 =	simm.s32 $0xF;
	s10 =	sor.u32 $0x3000, s20  }
0xbc: {  	[spmem:s11], [sflag:s22] =	dma.local [hbm:s24], $0x800  }
0xbd: {  	s23 =	simm.s32 $0x10;
	s25 =	sadd.s32 s10, s4;
	s11 =	sor.u32 $0x3800, s20  }
0xbe: {  	[spmem:s12], [sflag:s23] =	dma.local [hbm:s25], $0x800  }
0xbf: {  	s24 =	simm.s32 $0x11;
	s26 =	sadd.s32 s11, s4;
	s12 =	sor.u32 $0x4000, s20  }
0xc0: {  	[spmem:s13], [sflag:s24] =	dma.local [hbm:s26], $0x800  }
0xc1: {  	s25 =	simm.s32 $0x12;
	s28 =	sadd.s32 s12, s4;
	s13 =	sor.u32 $0x4800, s20  }
0xc2: {  	[spmem:s14], [sflag:s25] =	dma.local [hbm:s28], $0x800  }
0xc3: {  	s26 =	simm.s32 $0x13;
	s29 =	sadd.s32 s13, s4;
	s14 =	sor.u32 $0x5000, s20  }
0xc4: {  	[spmem:s15], [sflag:s26] =	dma.local [hbm:s29], $0x800  }
0xc5: {  	s28 =	simm.s32 $0x14;
	s30 =	sadd.s32 s14, s4;
	s15 =	sor.u32 $0x5800, s20  }
0xc6: {  	[spmem:s16], [sflag:s28] =	dma.local [hbm:s30], $0x800  }
0xc7: {  	s29 =	simm.s32 $0x15;
	s31 =	sadd.s32 s15, s4;
	s16 =	sor.u32 $0x6000, s20  }
0xc8: {  	[spmem:s17], [sflag:s29] =	dma.local [hbm:s31], $0x800  }
0xc9: {  	s30 =	simm.s32 $0x16;
	s0 =	sadd.s32 s16, s4;
	s17 =	sor.u32 $0x6800, s20  }
0xca: {  	[spmem:s18], [sflag:s30] =	dma.local [hbm:s0], $0x800  }
0xcb: {  	s31 =	simm.s32 $0x17;
	s1 =	sadd.s32 s17, s4;
	s18 =	sor.u32 $0x7000, s20  }
0xcc: {  	[spmem:s19], [sflag:s31] =	dma.local [hbm:s1], $0x800  }
0xcd: {  	s0 =	simm.s32 $0x18;
	s19 =	sadd.s32 s18, s4;
	s1 =	simm.s32 $0x7000  }
0xce: {  	[spmem:s1], [sflag:s0] =	dma.local [hbm:s19], $0x800  }
0xcf: {  	s19 =	sor.u32 $0x7800, s20  }
0xd0: {  	s0 =	simm.s32 $0x19;
	s1 =	simm.s32 $0x7800;
	s4 =	sadd.s32 s19, s4  }
0xd1: {  	[spmem:s1], [sflag:s0] =	dma.local [hbm:s4], $0x800  }
0xd2: {  	_ =	swait.ge [sflag:s21], $0x800  }
0xd3: {  	s4 =	simm.s32 $0x1A;
	[sflag:s21] =	ssyncset.done $0x0  }
0xd4: {  	[sflag:s21] =	ssyncadd.s32 $0xFFFFF800;
	s21 =	sadd.s32 s20, s3;
	s20 =	simm.s32 $0x0  }
0xd5: {  	[hbm:s21], [sflag:s4] =	dma.local [spmem:s20], $0x800  }
0xd6: {  	s21 =	simm.s32 $0xB  }
0xd7: {  	_ =	swait.ge [sflag:s21], $0x800  }
0xd8: {  	[sflag:s21] =	ssyncset.done $0x0  }
0xd9: {  	s5 =	sadd.s32 s5, s3;
	[sflag:s21] =	ssyncadd.s32 $0xFFFFF800;
	s21 =	simm.s32 $0x800  }
0xda: {  	[hbm:s5], [sflag:s4] =	dma.local [spmem:s21], $0x800  }
0xdb: {  	s5 =	simm.s32 $0xC  }
0xdc: {  	_ =	swait.ge [sflag:s5], $0x800  }
0xdd: {  	[sflag:s5] =	ssyncset.done $0x0  }
0xde: {  	[sflag:s5] =	ssyncadd.s32 $0xFFFFF800  }
0xdf: {  	s6 =	sadd.s32 s6, s3;
	s21 =	simm.s32 $0x1000  }
0xe0: {  	[hbm:s6], [sflag:s4] =	dma.local [spmem:s21], $0x800  }
0xe1: {  	_ =	swait.ge [sflag:s2], $0x800  }
0xe2: {  	[sflag:s2] =	ssyncset.done $0x0  }
0xe3: {  	[sflag:s2] =	ssyncadd.s32 $0xFFFFF800  }
0xe4: {  	s5 =	simm.s32 $0x1800;
	s6 =	simm.s32 $0xE;
	s2 =	sadd.s32 s7, s3  }
0xe5: {  	[hbm:s2], [sflag:s4] =	dma.local [spmem:s5], $0x800  }
0xe6: {  	_ =	swait.ge [sflag:s6], $0x800  }
0xe7: {  	[sflag:s6] =	ssyncset.done $0x0  }
0xe8: {  	[sflag:s6] =	ssyncadd.s32 $0xFFFFF800  }
0xe9: {  	s7 =	sadd.s32 s8, s3;
	s8 =	simm.s32 $0x2000  }
0xea: {  	[hbm:s7], [sflag:s4] =	dma.local [spmem:s8], $0x800  }
0xeb: {  	_ =	swait.ge [sflag:s22], $0x800  }
0xec: {  	[sflag:s22] =	ssyncset.done $0x0  }
0xed: {  	[sflag:s22] =	ssyncadd.s32 $0xFFFFF800  }
0xee: {  	s9 =	sadd.s32 s9, s3;
	s21 =	simm.s32 $0x2800  }
0xef: {  	[hbm:s9], [sflag:s4] =	dma.local [spmem:s21], $0x800  }
0xf0: {  	_ =	swait.ge [sflag:s23], $0x800  }
0xf1: {  	[sflag:s23] =	ssyncset.done $0x0  }
0xf2: {  	[sflag:s23] =	ssyncadd.s32 $0xFFFFF800  }
0xf3: {  	s22 =	sadd.s32 s10, s3;
	s23 =	simm.s32 $0x3000  }
0xf4: {  	[hbm:s22], [sflag:s4] =	dma.local [spmem:s23], $0x800  }
0xf5: {  	_ =	swait.ge [sflag:s24], $0x800  }
0xf6: {  	[sflag:s24] =	ssyncset.done $0x0  }
0xf7: {  	[sflag:s24] =	ssyncadd.s32 $0xFFFFF800  }
0xf8: {  	s2 =	sadd.s32 s11, s3;
	s5 =	simm.s32 $0x3800  }
0xf9: {  	[hbm:s2], [sflag:s4] =	dma.local [spmem:s5], $0x800  }
0xfa: {  	_ =	swait.ge [sflag:s25], $0x800  }
0xfb: {  	[sflag:s25] =	ssyncset.done $0x0  }
0xfc: {  	[sflag:s25] =	ssyncadd.s32 $0xFFFFF800  }
0xfd: {  	s6 =	sadd.s32 s12, s3;
	s7 =	simm.s32 $0x4000  }
0xfe: {  	[hbm:s6], [sflag:s4] =	dma.local [spmem:s7], $0x800  }
0xff: {  	_ =	swait.ge [sflag:s26], $0x800  }
0x100: {  	[sflag:s26] =	ssyncset.done $0x0  }
0x101: {  	[sflag:s26] =	ssyncadd.s32 $0xFFFFF800  }
0x102: {  	s8 =	sadd.s32 s13, s3;
	s9 =	simm.s32 $0x4800  }
0x103: {  	[hbm:s8], [sflag:s4] =	dma.local [spmem:s9], $0x800  }
0x104: {  	_ =	swait.ge [sflag:s28], $0x800  }
0x105: {  	[sflag:s28] =	ssyncset.done $0x0  }
0x106: {  	[sflag:s28] =	ssyncadd.s32 $0xFFFFF800  }
0x107: {  	s11 =	simm.s32 $0x5000;
	s10 =	sadd.s32 s14, s3  }
0x108: {  	[hbm:s10], [sflag:s4] =	dma.local [spmem:s11], $0x800  }
0x109: {  	_ =	swait.ge [sflag:s29], $0x800  }
0x10a: {  	[sflag:s29] =	ssyncset.done $0x0  }
0x10b: {  	[sflag:s29] =	ssyncadd.s32 $0xFFFFF800  }
0x10c: {  	s12 =	sadd.s32 s15, s3;
	s13 =	simm.s32 $0x5800  }
0x10d: {  	[hbm:s12], [sflag:s4] =	dma.local [spmem:s13], $0x800  }
0x10e: {  	_ =	swait.ge [sflag:s30], $0x800  }
0x10f: {  	[sflag:s30] =	ssyncset.done $0x0  }
0x110: {  	[sflag:s30] =	ssyncadd.s32 $0xFFFFF800  }
0x111: {  	s15 =	simm.s32 $0x6000;
	s14 =	sadd.s32 s16, s3  }
0x112: {  	[hbm:s14], [sflag:s4] =	dma.local [spmem:s15], $0x800  }
0x113: {  	_ =	swait.ge [sflag:s31], $0x800  }
0x114: {  	[sflag:s31] =	ssyncset.done $0x0  }
0x115: {  	[sflag:s31] =	ssyncadd.s32 $0xFFFFF800  }
0x116: {  	s16 =	sadd.s32 s17, s3;
	s17 =	simm.s32 $0x6800;
	s21 =	simm.s32 $0x18  }
0x117: {  	[hbm:s16], [sflag:s4] =	dma.local [spmem:s17], $0x800  }
0x118: {  	_ =	swait.ge [sflag:s21], $0x800  }
0x119: {  	[sflag:s21] =	ssyncset.done $0x0  }
0x11a: {  	[sflag:s21] =	ssyncadd.s32 $0xFFFFF800  }
0x11b: {  	s22 =	sadd.s32 s18, s3;
	s23 =	simm.s32 $0x7000;
	s24 =	simm.s32 $0x19  }
0x11c: {  	[hbm:s22], [sflag:s4] =	dma.local [spmem:s23], $0x800  }
0x11d: {  	_ =	swait.ge [sflag:s24], $0x800  }
0x11e: {  	[sflag:s24] =	ssyncset.done $0x0  }
0x11f: {  	[sflag:s24] =	ssyncadd.s32 $0xFFFFF800  }
0x120: {  	s25 =	sadd.s32 s19, s3  }
0x121: {  	[hbm:s25], [sflag:s4] =	dma.local [spmem:s1], $0x800  }
0x122: {  	_ =	swait.ge [sflag:s4], $0x800  }
0x123: {  	[sflag:s4] =	ssyncset.done $0x0  }
0x124: {  	[sflag:s4] =	ssyncadd.s32 $0xFFFFF800;
	_ =	sdelay $0x2  }
0x125: {  	_ =	swait.ge [sflag:s4], $0x800  }
0x126: {  	[sflag:s4] =	ssyncset.done $0x0  }
0x127: {  	[sflag:s4] =	ssyncadd.s32 $0xFFFFF800;
	_ =	sdelay $0x2  }
0x128: {  	_ =	swait.ge [sflag:s4], $0x800  }
0x129: {  	[sflag:s4] =	ssyncset.done $0x0  }
0x12a: {  	[sflag:s4] =	ssyncadd.s32 $0xFFFFF800;
	_ =	sdelay $0x2  }
0x12b: {  	_ =	swait.ge [sflag:s4], $0x800  }
0x12c: {  	[sflag:s4] =	ssyncset.done $0x0  }
0x12d: {  	[sflag:s4] =	ssyncadd.s32 $0xFFFFF800;
	_ =	sdelay $0x2  }
0x12e: {  	_ =	swait.ge [sflag:s4], $0x800  }
0x12f: {  	[sflag:s4] =	ssyncset.done $0x0  }
0x130: {  	[sflag:s4] =	ssyncadd.s32 $0xFFFFF800;
	_ =	sdelay $0x2  }
0x131: {  	_ =	swait.ge [sflag:s4], $0x800  }
0x132: {  	[sflag:s4] =	ssyncset.done $0x0  }
0x133: {  	[sflag:s4] =	ssyncadd.s32 $0xFFFFF800;
	_ =	sdelay $0x2  }
0x134: {  	_ =	swait.ge [sflag:s4], $0x800  }
0x135: {  	[sflag:s4] =	ssyncset.done $0x0  }
0x136: {  	[sflag:s4] =	ssyncadd.s32 $0xFFFFF800;
	_ =	sdelay $0x2  }
0x137: {  	_ =	swait.ge [sflag:s4], $0x800  }
0x138: {  	[sflag:s4] =	ssyncset.done $0x0  }
0x139: {  	[sflag:s4] =	ssyncadd.s32 $0xFFFFF800;
	_ =	sdelay $0x2  }
0x13a: {  	_ =	swait.ge [sflag:s4], $0x800  }
0x13b: {  	[sflag:s4] =	ssyncset.done $0x0  }
0x13c: {  	[sflag:s4] =	ssyncadd.s32 $0xFFFFF800;
	_ =	sdelay $0x2  }
0x13d: {  	_ =	swait.ge [sflag:s4], $0x800  }
0x13e: {  	[sflag:s4] =	ssyncset.done $0x0  }
0x13f: {  	[sflag:s4] =	ssyncadd.s32 $0xFFFFF800;
	_ =	sdelay $0x2  }
0x140: {  	_ =	swait.ge [sflag:s4], $0x800  }
0x141: {  	[sflag:s4] =	ssyncset.done $0x0  }
0x142: {  	[sflag:s4] =	ssyncadd.s32 $0xFFFFF800;
	_ =	sdelay $0x2  }
0x143: {  	_ =	swait.ge [sflag:s4], $0x800  }
0x144: {  	[sflag:s4] =	ssyncset.done $0x0  }
0x145: {  	[sflag:s4] =	ssyncadd.s32 $0xFFFFF800;
	_ =	sdelay $0x2  }
0x146: {  	_ =	swait.ge [sflag:s4], $0x800  }
0x147: {  	[sflag:s4] =	ssyncset.done $0x0  }
0x148: {  	[sflag:s4] =	ssyncadd.s32 $0xFFFFF800;
	_ =	sdelay $0x2  }
0x149: {  	_ =	swait.ge [sflag:s4], $0x800  }
0x14a: {  	[sflag:s4] =	ssyncset.done $0x0  }
0x14b: {  	[sflag:s4] =	ssyncadd.s32 $0xFFFFF800;
	_ =	sdelay $0x2  }
0x14c: {  	_ =	swait.ge [sflag:s4], $0x800  }
0x14d: {  	[sflag:s4] =	ssyncset.done $0x0  }
0x14e: {  	[sflag:s4] =	ssyncadd.s32 $0xFFFFF800;
	_ =	sdelay $0x2  }
0x14f: {  	_ =	swait.ge [sflag:s4], $0x800  }
0x150: {  	[sflag:s4] =	ssyncset.done $0x0  }
0x151: {  	[sflag:s4] =	ssyncadd.s32 $0xFFFFF800  }
0x152: {  	_ =	strace $0x90000046  }
0x153: {  	s26 =	simm.s32 $0x9;
	_ =	strace $0x80000048  }
0x154: {  	_ =	swait.ge [sflag:s26], $0x1  }
0x155: {  	[sflag:s26] =	ssyncadd.s32 $0xFFFFFFFF  }
0x156: {  	_ =	strace $0x90000048  }
0x157: {  	_ =	sfence  }
0x158: {  	s28 =	sld [smem:$0x0];
	_ =	sdelay $0x1  }
0x159: {  	s29 =	srdreg.scid  }
0x15a: {  	s2 =	sshrl.u32 s29, $0x2;
	s30 =	sshll.u32 s29, $0xD  }
0x15b: {  	s1 =	sand.u32 $0x4000, s30;
	s31 =	rddreg [dreg:$0x5];
	s0 =	sadd.s32 s2, s28  }
0x15c: {  	s1 =	sor.u32 s1, s31;
	s0 =	sshll.u32 s0, $0x11  }
0x15d: {  	s0 =	sor.u32 s0, s1  }
0x15e: {  	s0 =	sadd.s32 $0x8F2B, s0  }
0x15f: {  	[sflag:s0] =	ssyncadd.remote.s32 $0x1  }
0x160: {  	_ =	sfence.sel $0xFFFF  }
0x161: {  	[dreg:$0x0] =	wrdreg $0xFFFFFFFF;
	(pc) =	sbr.abs _section_cstart, $3  }
0x162: {  	[dreg:$0x1] =	wrdreg $0xFFFFFFFF  }
0x163: {  	_ =	task.clear_ibuf [dreg:s20], $0x2FFFF;
	_ =	strace $0x9FFFFFFF  }
0x164: {  	(tm) =	ssettm $0x7FFFFFFF  }
0x165: {  	_ =	shalt  }
tec
execute0_lowered:
.L_overlay_start_1:
0x0: {  	(tag) =	ssettag $0x1  }
0x1: {  	s5 =	rddreg [dreg:$0x0];
	s2 =	srdreg.scid  }
0x2: {  	s10 =	rddreg [dreg:$0x1];
	s1 =	stileid.u32;
	s11 =	sand.u32 $0x1, s2  }
0x3: {  	s2 =	simm.s32 $0x0;
	s3 =	sshll.u32 s1, $0xC;
	s4 =	sshll.u32 s11, $0xB  }
0x4: {  	[smem:$0x7FF] =	sst s2;
	s4 =	sor.u32 s4, s3  }
0x5: {  	s0 =	rddreg [dreg:$0x2];
	_ =	strace $0x80000047;
	s8 =	sor.u32 $0x10000, s4  }
0x6: {  	s12 =	sor.u32 $0x10400, s4;
	s4 =	simm.s32 $0x4000;
	s3 =	sadd.s32 s5, s8  }
0x7: {  	[tilespmem:s4], [sflag:$0x1] =	stream.linear.gather [hbm4b:s3+s2], $0x2000, $0x38;
	[tilespmem:$0x8000] =	vst v63  }
0x8: {  	s6 =	simm.s32 $0x6000;
	s7 =	simm.s32 $0x1;
	s5 =	sadd.s32 s5, s12  }
0x9: {  	[tilespmem:s6], [sflag:$0x2] =	stream.linear.gather [hbm4b:s5+s2], $0x2000, $0x38;
	[tilespmem:$0x8000] =	vst v63  }
0xa: {  	_ =	swait.ge [sflag:s7], $0x2000  }
0xb: {  	s9 =	simm.s32 $0x2;
	s13 =	ssub.s32 $0x2, s11;
	[sflag:s7] =	ssyncset.done $0x0  }
0xc: {  	s31 =	sshrl.u32 s13, $0x1;
	s8 =	sadd.s32 s10, s8;
	[sflag:s7] =	ssyncadd.s32 $0xFFFFE000  }
0xd: {  	[hbm4b:s8+s2] =	stream.linear.scatter [tilespmem:s4], [sflag:$0x3], $0x2000, $0x38;
	[tilespmem:$0x8000] =	vst v63  }
0xe: {  	s11 =	sadd.s32 s10, s12;
	s12 =	ssub.s32 s13, s31;
	_ =	swait.ge [sflag:s9], $0x2000  }
0xf: {  	s12 =	smax.u32 s12, $0x1;
	[sflag:s9] =	ssyncset.done $0x0  }
0x10: {  	s10 =	simm.s32 $0x3;
	p0 =	sne.s32 s12, $0x1;
	[sflag:s9] =	ssyncadd.s32 $0xFFFFE000  }
0x11: {  	[hbm4b:s11+s2] =	stream.linear.scatter [tilespmem:s6], [sflag:$0x3], $0x2000, $0x38;
	[tilespmem:$0x8000] =	vst v63  }
.Ltmp0:
0x12: {  	_ =	swait.ge [sflag:s10], $0x2000;
	(pc) =	sbr.rel @!p0 .LBB2_2-.Ltmp0, $4  }
0x13: {  	[sflag:s10] =	ssyncset.done $0x0  }
0x14: {  	[sflag:s10] =	ssyncadd.s32 $0xFFFFE000  }
0x15: {  	_ =	swait.ge [sflag:s10], $0x2000  }
0x16: {  	s12 =	sadd.s32 $0xFFFFFFFF, s12;
	[sflag:s10] =	ssyncset.done $0x0  }
.LBB2_1:
0x17: {  	p0 =	sne.s32 s12, $0x1;
	s12 =	sadd.s32 $0xFFFFFFFF, s12;
	[sflag:s10] =	ssyncadd.s32 $0xFFFFE000  }
0x18: {  	[tilespmem:s4], [sflag:$0x1] =	stream.linear.gather [hbm4b:s3+s2], $0x2000, $0x38;
	[tilespmem:$0x8000] =	vst v63  }
0x19: {  	_ = 	snop  }
0x1a: {  	[tilespmem:s6], [sflag:$0x2] =	stream.linear.gather [hbm4b:s5+s2], $0x2000, $0x38;
	[tilespmem:$0x8000] =	vst v63  }
0x1b: {  	_ =	swait.ge [sflag:s7], $0x2000  }
0x1c: {  	[sflag:s7] =	ssyncset.done $0x0  }
0x1d: {  	[sflag:s7] =	ssyncadd.s32 $0xFFFFE000  }
0x1e: {  	[hbm4b:s8+s2] =	stream.linear.scatter [tilespmem:s4], [sflag:$0x3], $0x2000, $0x38;
	[tilespmem:$0x8000] =	vst v63  }
0x1f: {  	_ =	swait.ge [sflag:s9], $0x2000  }
0x20: {  	[sflag:s9] =	ssyncset.done $0x0  }
0x21: {  	[sflag:s9] =	ssyncadd.s32 $0xFFFFE000  }
0x22: {  	[hbm4b:s11+s2] =	stream.linear.scatter [tilespmem:s6], [sflag:$0x3], $0x2000, $0x38;
	[tilespmem:$0x8000] =	vst v63  }
.Ltmp1:
0x23: {  	_ =	swait.ge [sflag:s10], $0x2000;
	(pc) =	sbr.rel @p0 .LBB2_1-.Ltmp1, $4  }
0x24: {  	[sflag:s10] =	ssyncset.done $0x0  }
0x25: {  	[sflag:s10] =	ssyncadd.s32 $0xFFFFE000  }
0x26: {  	_ =	swait.ge [sflag:s10], $0x2000  }
0x27: {  	[sflag:s10] =	ssyncset.done $0x0  }
.LBB2_2:
0x28: {  	[sflag:s10] =	ssyncadd.s32 $0xFFFFE000  }
0x29: {  	_ =	sfence.sel $0x180000  }
0x2a: {  	[bflag:$0x0] =	sbarrier.arrive $0xFFFF  }
0x2b: {  	p0 =	sne.s32 s1, $0x0;
	_ =	strace $0x90000047  }
0x2c: {  	s0 =	sadd.s32 @!p0 $0x100000, s0;
	[bflag:$0x2] =	sbarrier.arrive $0xFFFF  }
0x2d: {  	[sflag:s0] =	ssyncadd.tile.s32 @!p0 $0x1;
	_ =	shalt  }
.Lfunc_end2:
_tile_overlayer_lowered:
.L_overlay_start_2:
0x2e: {  	(tag) =	ssettag $0x2  }
0x2f: {  	s0 =	rddreg [dreg:$0x0];
	s2 =	stileid.u32  }
0x30: {  	s1 =	rddreg [dreg:$0x1];
	p0 =	sne.s32 s2, $0x0  }
0x31: {  	s3 =	rddreg [dreg:$0x2];
	[bflag:$0x3] =	sbarrier.arrive $0xFFFF;
	s2 =	simm.s32 @!p0 $0x1C04  }
0x32: {  	[timem:s3], [sflag:s2] =	dma.local @!p0 [hbm:s0], s1  }
0x33: {  	s0 =	simm.s32 @!p0 $0x4  }
0x34: {  	_ =	swait.ge @!p0 [sflag:s0], s1  }
0x35: {  	s1 =	ssub.s32 @!p0 $0x0, s1;
	[sflag:s0] =	ssyncset.done @!p0 $0x0  }
0x36: {  	[sflag:s0] =	ssyncadd.s32 @!p0 s1  }
0x37: {  	[bflag:$0x3] =	sbarrier.arrive $0xFFFF  }
0x38: {  	_ =	shalt  }

</sc_bundles>
